<compile_context>
chip_gen: v7x
topology: tpu7x:2x2x1
jax: 0.10.2.dev20260603
libtpu: 0.0.44.dev20260713+nightly
codegen_flags: <defaults>
</compile_context>

<pallas_src>
import functools

import jax
import jax.numpy as jnp
from jax import lax
from jax.experimental import pallas as pl
from jax.experimental.pallas import tpu as pltpu
from jax.experimental.pallas import tpu_sc as plsc

D = 64
ROWS = 4096
COLS = 200
NC = 2
NS = 16
NW = NC * NS
RPW = ROWS // NW
GR = 2
NPAIR = RPW // GR // 2
SCALE = 8.0


def _gather_scaled(x, lut):
    mesh = plsc.VectorSubcoreMesh(core_axis_name="c", subcore_axis_name="s")

    @functools.partial(
        pl.kernel,
        mesh=mesh,
        out_type=jax.ShapeDtypeStruct((ROWS, COLS, 128), jnp.float32),
        scratch_types=[
            pltpu.VMEM((2, GR, COLS), jnp.int32),
            pltpu.VMEM((2, GR, COLS, D), jnp.float32),
            pltpu.SemaphoreType.DMA,
            pltpu.SemaphoreType.DMA,
            pltpu.SemaphoreType.DMA,
            pltpu.SemaphoreType.DMA,
        ],
        compiler_params=pltpu.CompilerParams(use_tc_tiling_on_sc=False),
    )
    def k(idx_hbm, table_hbm, out_hbm, idx_v, rows_v, g0, g1, s0, s1):
        wid = lax.axis_index("s") * NC + lax.axis_index("c")
        base = wid * RPW
        gsem = (g0, g1)
        ssem = (s0, s1)

        def fire_gather(g, b):
            r0 = base + g * GR
            pltpu.sync_copy(idx_hbm.at[pl.ds(r0, GR), :], idx_v.at[b])
            for i in range(GR):
                pltpu.async_copy(
                    table_hbm.at[idx_v.at[b, i, pl.ds(0, 128)]],
                    rows_v.at[b, i, pl.ds(0, 128), :],
                    gsem[b],
                )
                pltpu.async_copy(
                    table_hbm.at[idx_v.at[b, i, pl.ds(128, COLS - 128)]],
                    rows_v.at[b, i, pl.ds(128, COLS - 128), :],
                    gsem[b],
                )

        def wait_gather(b):
            pltpu.make_async_copy(
                out_hbm.at[pl.ds(0, GR), :, pl.ds(0, D)], rows_v.at[b], gsem[b]
            ).wait()

        def start_store(g, b):
            r0 = base + g * GR
            pltpu.async_copy(
                rows_v.at[b], out_hbm.at[pl.ds(r0, GR), :, pl.ds(0, D)], ssem[b]
            )

        def wait_store(b):
            pltpu.make_async_copy(
                rows_v.at[b], out_hbm.at[pl.ds(0, GR), :, pl.ds(0, D)], ssem[b]
            ).wait()

        def scale_spread(b):
            for i in range(GR):
                @plsc.parallel_loop(0, COLS, step=1, unroll=8)
                def _(r):
                    for q in range(D // 16):
                        sl = pl.ds(q * 16, 16)
                        rows_v[b, i, r, sl] = rows_v[b, i, r, sl] * SCALE

        fire_gather(0, 0)

        def step(t, carry):
            ge = 2 * t
            wait_gather(0)
            scale_spread(0)

            @pl.when(t > 0)
            def _():
                wait_store(1)

            fire_gather(ge + 1, 1)
            start_store(ge, 0)
            wait_gather(1)
            scale_spread(1)
            wait_store(0)

            @pl.when(t < NPAIR - 1)
            def _():
                fire_gather(ge + 2, 0)

            start_store(ge + 1, 1)
            return carry

        lax.fori_loop(0, NPAIR, step, 0)
        wait_store(1)

    return k(x, lut)


def kernel(x, lut):
    return _gather_scaled(x, lut)[:, :, :D]

# --- scband reference (transcript-rebuilt; emitter-appended) ---
"""Pipeline reference for scband-embeddings-66219805769866 (READ-ONLY COPY).

The authoritative reference and input builder live on the scoring server;
editing this copy changes nothing except your own understanding.
"""

import jax, jax.numpy as jnp
import numpy as np
import math

D_MODEL = 64
VOCAB = 1000000

def setup_inputs(seed: int = 0) -> dict:
    key = jax.random.key(seed)
    k1, k2 = jax.random.split(key)
    x = jax.random.randint(k1, (4096, 200), 0, VOCAB, dtype=jnp.int64 if jax.config.jax_enable_x64 else jnp.int32)
    lut = jax.random.normal(k2, (VOCAB, D_MODEL), dtype=jnp.float32)
    return {"x": x, "lut": lut}

def reference(x, lut):
    # Embeddings.forward: self.lut(x) * math.sqrt(self.d_model)
    emb = jnp.take(lut, x, axis=0)
    return emb * math.sqrt(D_MODEL)

if __name__ == "__main__":
    import jax
    _d = setup_inputs()
    print(jax.jit(kernel)(*tuple(_d.values())))

</pallas_src>

<mosaic_0001>
#map = affine_map<(d0, d1) -> (0, 0)>
#map1 = affine_map<(d0, d1) -> (0, 0, 0)>
module attributes {stable_mosaic.version = 14 : i64} {
  func.func @k(%arg0: i32, %arg1: i32, %arg2: memref<4096x200xi32, #tpu.memory_space<hbm>>, %arg3: memref<1000000x64xf32, #tpu.memory_space<hbm>>, %arg4: memref<4096x200x128xf32, #tpu.memory_space<hbm>>, %arg5: memref<2x2x200xi32, #tpu.memory_space<vmem>>, %arg6: memref<2x2x200x64xf32, #tpu.memory_space<vmem>>, %arg7: memref<!tpu.dma_semaphore, #tpu.memory_space<semaphore_mem>>, %arg8: memref<!tpu.dma_semaphore, #tpu.memory_space<semaphore_mem>>, %arg9: memref<!tpu.dma_semaphore, #tpu.memory_space<semaphore_mem>>, %arg10: memref<!tpu.dma_semaphore, #tpu.memory_space<semaphore_mem>>) attributes {dimension_semantics = [#tpu.dimension_semantics<core_parallel>, #tpu.dimension_semantics<subcore_parallel>], iteration_bounds = array<i64: 2, 16>, scalar_prefetch = 0 : i64, scratch_operands = 6 : i64, tpu.core_type = #tpu.core_type<sc_vector_subcore>, window_params = [{transform_indices = #map}, {transform_indices = #map}, {transform_indices = #map1}]} {
    %mul3A = arith.constant 2 : i32
    %mul3A_0 = arith.muli %arg1, %mul3A : i32
    %add3A = arith.addi %mul3A_0, %arg0 : i32
    %mul3A_1 = arith.constant 128 : i32
    %mul3A_2 = arith.muli %add3A, %mul3A_1 : i32
    %add3A_3 = arith.constant 0 : i32
    %add3A_4 = arith.addi %mul3A_2, %add3A_3 : i32
    %run_scoped3A = arith.constant 0 : i32
    "tpu.region"() ({
      %run_scoped3A_83 = tpu.sem_alloc : memref<!tpu.dma_semaphore, #tpu.memory_space<semaphore_mem>>
      %dma_start3A_84 = arith.constant 0 : i32
      %dma_start3A_85 = arith.constant 0 : i32
      %dma_start3A_86 = tpu.memref_slice %arg5[%run_scoped3A, %dma_start3A_84, %dma_start3A_85] : memref<2x2x200xi32, #tpu.memory_space<vmem>> -> memref<1x2x200xi32, #tpu.memory_space<vmem>>
      %dma_start3A_87 = tpu.memref_squeeze %dma_start3A_86 : memref<1x2x200xi32, #tpu.memory_space<vmem>> -> memref<2x200xi32, #tpu.memory_space<vmem>>
      %dma_start3A_88 = arith.constant 0 : i32
      %dma_start3A_89 = tpu.memref_slice %arg2[%add3A_4, %dma_start3A_88] : memref<4096x200xi32, #tpu.memory_space<hbm>> -> memref<2x200xi32, #tpu.memory_space<hbm>>
      %dma_start3A_90 = arith.constant 0 : i32
      %dma_start3A_91 = arith.constant 0 : i32
      %dma_start3A_92 = tpu.memref_slice %arg5[%run_scoped3A, %dma_start3A_90, %dma_start3A_91] : memref<2x2x200xi32, #tpu.memory_space<vmem>> -> memref<1x2x200xi32, #tpu.memory_space<vmem>>
      %dma_start3A_93 = tpu.memref_squeeze %dma_start3A_92 : memref<1x2x200xi32, #tpu.memory_space<vmem>> -> memref<2x200xi32, #tpu.memory_space<vmem>>
      %dma_start3A_94 = arith.constant 0 : i32
      %dma_start3A_95 = tpu.memref_slice %arg2[%add3A_4, %dma_start3A_94] : memref<4096x200xi32, #tpu.memory_space<hbm>> -> memref<2x200xi32, #tpu.memory_space<hbm>>
      tpu.enqueue_dma source(%dma_start3A_95 : memref<2x200xi32, #tpu.memory_space<hbm>>) target(%dma_start3A_93 : memref<2x200xi32, #tpu.memory_space<vmem>>) target_semaphore(%run_scoped3A_83 : memref<!tpu.dma_semaphore, #tpu.memory_space<semaphore_mem>>)
      %dma_wait3A_96 = arith.constant 0 : i32
      %dma_wait3A_97 = arith.constant 0 : i32
      %dma_wait3A_98 = tpu.memref_slice %arg5[%run_scoped3A, %dma_wait3A_96, %dma_wait3A_97] : memref<2x2x200xi32, #tpu.memory_space<vmem>> -> memref<1x2x200xi32, #tpu.memory_space<vmem>>
      %dma_wait3A_99 = tpu.memref_squeeze %dma_wait3A_98 : memref<1x2x200xi32, #tpu.memory_space<vmem>> -> memref<2x200xi32, #tpu.memory_space<vmem>>
      %dma_wait3A_100 = arith.constant 0 : i32
      %dma_wait3A_101 = tpu.memref_slice %arg2[%add3A_4, %dma_wait3A_100] : memref<4096x200xi32, #tpu.memory_space<hbm>> -> memref<2x200xi32, #tpu.memory_space<hbm>>
      %dma_wait3A_102 = arith.constant 0 : i32
      %dma_wait3A_103 = arith.constant 0 : i32
      %dma_wait3A_104 = tpu.memref_slice %arg5[%run_scoped3A, %dma_wait3A_102, %dma_wait3A_103] : memref<2x2x200xi32, #tpu.memory_space<vmem>> -> memref<1x2x200xi32, #tpu.memory_space<vmem>>
      %dma_wait3A_105 = tpu.memref_squeeze %dma_wait3A_104 : memref<1x2x200xi32, #tpu.memory_space<vmem>> -> memref<2x200xi32, #tpu.memory_space<vmem>>
      %dma_wait3A_106 = arith.constant 0 : i32
      %dma_wait3A_107 = tpu.memref_slice %arg2[%add3A_4, %dma_wait3A_106] : memref<4096x200xi32, #tpu.memory_space<hbm>> -> memref<2x200xi32, #tpu.memory_space<hbm>>
      tpu.wait_dma2 semaphore(%run_scoped3A_83 : memref<!tpu.dma_semaphore, #tpu.memory_space<semaphore_mem>>) src(%dma_wait3A_107 : memref<2x200xi32, #tpu.memory_space<hbm>>) dst(%dma_wait3A_105 : memref<2x200xi32, #tpu.memory_space<vmem>>)
      tpu.yield
    }) : () -> ()
    %dma_start3A = arith.constant 0 : i32
    %dma_start3A_5 = arith.constant 0 : i32
    %dma_start3A_6 = arith.constant 0 : i32
    %dma_start3A_7 = arith.constant 0 : i32
    %dma_start3A_8 = arith.constant 0 : i32
    %dma_start3A_9 = arith.constant 0 : i32
    %dma_start3A_10 = tpu.memref_slice %arg6[%dma_start3A_6, %dma_start3A_7, %dma_start3A_8, %dma_start3A_9] : memref<2x2x200x64xf32, #tpu.memory_space<vmem>> -> memref<1x1x128x64xf32, #tpu.memory_space<vmem>>
    %dma_start3A_11 = tpu.memref_squeeze %dma_start3A_10 : memref<1x1x128x64xf32, #tpu.memory_space<vmem>> -> memref<128x64xf32, #tpu.memory_space<vmem>>
    %dma_start3A_12 = arith.constant 0 : i32
    %dma_start3A_13 = tpu.memref_slice %arg5[%dma_start3A, %dma_start3A_5, %dma_start3A_12] : memref<2x2x200xi32, #tpu.memory_space<vmem>> -> memref<1x1x128xi32, #tpu.memory_space<vmem>>
    %dma_start3A_14 = tpu.memref_squeeze %dma_start3A_13 : memref<1x1x128xi32, #tpu.memory_space<vmem>> -> memref<128xi32, #tpu.memory_space<vmem>>
    %dma_start3A_15 = arith.constant 0 : i32
    %dma_start3A_16 = arith.constant 0 : i32
    %dma_start3A_17 = tpu.memref_slice %arg3[%dma_start3A_15, %dma_start3A_16] : memref<1000000x64xf32, #tpu.memory_space<hbm>> -> memref<1000000x64xf32, #tpu.memory_space<hbm>>
    tpu.enqueue_indirect_dma source(%dma_start3A_17 : memref<1000000x64xf32, #tpu.memory_space<hbm>>) target(%dma_start3A_11 : memref<128x64xf32, #tpu.memory_space<vmem>>) offsets(%dma_start3A_14 : memref<128xi32, #tpu.memory_space<vmem>>) semaphore(%arg7 : memref<!tpu.dma_semaphore, #tpu.memory_space<semaphore_mem>>)
    %dma_start3A_18 = arith.constant 0 : i32
    %dma_start3A_19 = arith.constant 0 : i32
    %dma_start3A_20 = arith.constant 0 : i32
    %dma_start3A_21 = arith.constant 0 : i32
    %dma_start3A_22 = arith.constant 128 : i32
    %dma_start3A_23 = arith.constant 0 : i32
    %dma_start3A_24 = tpu.memref_slice %arg6[%dma_start3A_20, %dma_start3A_21, %dma_start3A_22, %dma_start3A_23] : memref<2x2x200x64xf32, #tpu.memory_space<vmem>> -> memref<1x1x72x64xf32, #tpu.memory_space<vmem>>
    %dma_start3A_25 = tpu.memref_squeeze %dma_start3A_24 : memref<1x1x72x64xf32, #tpu.memory_space<vmem>> -> memref<72x64xf32, #tpu.memory_space<vmem>>
    %dma_start3A_26 = arith.constant 128 : i32
    %dma_start3A_27 = tpu.memref_slice %arg5[%dma_start3A_18, %dma_start3A_19, %dma_start3A_26] : memref<2x2x200xi32, #tpu.memory_space<vmem>> -> memref<1x1x72xi32, #tpu.memory_space<vmem>>
    %dma_start3A_28 = tpu.memref_squeeze %dma_start3A_27 : memref<1x1x72xi32, #tpu.memory_space<vmem>> -> memref<72xi32, #tpu.memory_space<vmem>>
    %dma_start3A_29 = arith.constant 0 : i32
    %dma_start3A_30 = arith.constant 0 : i32
    %dma_start3A_31 = tpu.memref_slice %arg3[%dma_start3A_29, %dma_start3A_30] : memref<1000000x64xf32, #tpu.memory_space<hbm>> -> memref<1000000x64xf32, #tpu.memory_space<hbm>>
    tpu.enqueue_indirect_dma source(%dma_start3A_31 : memref<1000000x64xf32, #tpu.memory_space<hbm>>) target(%dma_start3A_25 : memref<72x64xf32, #tpu.memory_space<vmem>>) offsets(%dma_start3A_28 : memref<72xi32, #tpu.memory_space<vmem>>) semaphore(%arg7 : memref<!tpu.dma_semaphore, #tpu.memory_space<semaphore_mem>>)
    %dma_start3A_32 = arith.constant 0 : i32
    %dma_start3A_33 = arith.constant 1 : i32
    %dma_start3A_34 = arith.constant 0 : i32
    %dma_start3A_35 = arith.constant 1 : i32
    %dma_start3A_36 = arith.constant 0 : i32
    %dma_start3A_37 = arith.constant 0 : i32
    %dma_start3A_38 = tpu.memref_slice %arg6[%dma_start3A_34, %dma_start3A_35, %dma_start3A_36, %dma_start3A_37] : memref<2x2x200x64xf32, #tpu.memory_space<vmem>> -> memref<1x1x128x64xf32, #tpu.memory_space<vmem>>
    %dma_start3A_39 = tpu.memref_squeeze %dma_start3A_38 : memref<1x1x128x64xf32, #tpu.memory_space<vmem>> -> memref<128x64xf32, #tpu.memory_space<vmem>>
    %dma_start3A_40 = arith.constant 0 : i32
    %dma_start3A_41 = tpu.memref_slice %arg5[%dma_start3A_32, %dma_start3A_33, %dma_start3A_40] : memref<2x2x200xi32, #tpu.memory_space<vmem>> -> memref<1x1x128xi32, #tpu.memory_space<vmem>>
    %dma_start3A_42 = tpu.memref_squeeze %dma_start3A_41 : memref<1x1x128xi32, #tpu.memory_space<vmem>> -> memref<128xi32, #tpu.memory_space<vmem>>
    %dma_start3A_43 = arith.constant 0 : i32
    %dma_start3A_44 = arith.constant 0 : i32
    %dma_start3A_45 = tpu.memref_slice %arg3[%dma_start3A_43, %dma_start3A_44] : memref<1000000x64xf32, #tpu.memory_space<hbm>> -> memref<1000000x64xf32, #tpu.memory_space<hbm>>
    tpu.enqueue_indirect_dma source(%dma_start3A_45 : memref<1000000x64xf32, #tpu.memory_space<hbm>>) target(%dma_start3A_39 : memref<128x64xf32, #tpu.memory_space<vmem>>) offsets(%dma_start3A_42 : memref<128xi32, #tpu.memory_space<vmem>>) semaphore(%arg7 : memref<!tpu.dma_semaphore, #tpu.memory_space<semaphore_mem>>)
    %dma_start3A_46 = arith.constant 0 : i32
    %dma_start3A_47 = arith.constant 1 : i32
    %dma_start3A_48 = arith.constant 0 : i32
    %dma_start3A_49 = arith.constant 1 : i32
    %dma_start3A_50 = arith.constant 128 : i32
    %dma_start3A_51 = arith.constant 0 : i32
    %dma_start3A_52 = tpu.memref_slice %arg6[%dma_start3A_48, %dma_start3A_49, %dma_start3A_50, %dma_start3A_51] : memref<2x2x200x64xf32, #tpu.memory_space<vmem>> -> memref<1x1x72x64xf32, #tpu.memory_space<vmem>>
    %dma_start3A_53 = tpu.memref_squeeze %dma_start3A_52 : memref<1x1x72x64xf32, #tpu.memory_space<vmem>> -> memref<72x64xf32, #tpu.memory_space<vmem>>
    %dma_start3A_54 = arith.constant 128 : i32
    %dma_start3A_55 = tpu.memref_slice %arg5[%dma_start3A_46, %dma_start3A_47, %dma_start3A_54] : memref<2x2x200xi32, #tpu.memory_space<vmem>> -> memref<1x1x72xi32, #tpu.memory_space<vmem>>
    %dma_start3A_56 = tpu.memref_squeeze %dma_start3A_55 : memref<1x1x72xi32, #tpu.memory_space<vmem>> -> memref<72xi32, #tpu.memory_space<vmem>>
    %dma_start3A_57 = arith.constant 0 : i32
    %dma_start3A_58 = arith.constant 0 : i32
    %dma_start3A_59 = tpu.memref_slice %arg3[%dma_start3A_57, %dma_start3A_58] : memref<1000000x64xf32, #tpu.memory_space<hbm>> -> memref<1000000x64xf32, #tpu.memory_space<hbm>>
    tpu.enqueue_indirect_dma source(%dma_start3A_59 : memref<1000000x64xf32, #tpu.memory_space<hbm>>) target(%dma_start3A_53 : memref<72x64xf32, #tpu.memory_space<vmem>>) offsets(%dma_start3A_56 : memref<72xi32, #tpu.memory_space<vmem>>) semaphore(%arg7 : memref<!tpu.dma_semaphore, #tpu.memory_space<semaphore_mem>>)
    %scan3A = arith.constant 0 : i32
    %scan3A_60 = arith.constant 0 : i32
    %scan3A_61 = arith.constant 32 : i32
    %scan3A_62 = arith.addi %scan3A_60, %scan3A_61 : i32
    %scan3A_63 = arith.constant 1 : i32
    scf.for %scan3A_83 = %scan3A_60 to %scan3A_62 step %scan3A_63  : i32 {
      %mul3A_84 = arith.constant 2 : i32
      %mul3A_85 = arith.muli %mul3A_84, %scan3A_83 : i32
      %dma_wait3A_86 = arith.constant 0 : i32
      %dma_wait3A_87 = arith.constant 0 : i32
      %dma_wait3A_88 = arith.constant 0 : i32
      %dma_wait3A_89 = arith.constant 0 : i32
      %dma_wait3A_90 = tpu.memref_slice %arg6[%dma_wait3A_86, %dma_wait3A_87, %dma_wait3A_88, %dma_wait3A_89] : memref<2x2x200x64xf32, #tpu.memory_space<vmem>> -> memref<1x2x200x64xf32, #tpu.memory_space<vmem>>
      %dma_wait3A_91 = tpu.memref_squeeze %dma_wait3A_90 : memref<1x2x200x64xf32, #tpu.memory_space<vmem>> -> memref<2x200x64xf32, #tpu.memory_space<vmem>>
      %dma_wait3A_92 = arith.constant 0 : i32
      %dma_wait3A_93 = arith.constant 0 : i32
      %dma_wait3A_94 = arith.constant 0 : i32
      %dma_wait3A_95 = tpu.memref_slice %arg4[%dma_wait3A_92, %dma_wait3A_93, %dma_wait3A_94] : memref<4096x200x128xf32, #tpu.memory_space<hbm>> -> memref<2x200x64xf32, #tpu.memory_space<hbm>>
      %dma_wait3A_96 = arith.constant 0 : i32
      %dma_wait3A_97 = arith.constant 0 : i32
      %dma_wait3A_98 = arith.constant 0 : i32
      %dma_wait3A_99 = tpu.memref_slice %arg6[%dma_wait3A_86, %dma_wait3A_96, %dma_wait3A_97, %dma_wait3A_98] : memref<2x2x200x64xf32, #tpu.memory_space<vmem>> -> memref<1x2x200x64xf32, #tpu.memory_space<vmem>>
      %dma_wait3A_100 = tpu.memref_squeeze %dma_wait3A_99 : memref<1x2x200x64xf32, #tpu.memory_space<vmem>> -> memref<2x200x64xf32, #tpu.memory_space<vmem>>
      %dma_wait3A_101 = arith.constant 0 : i32
      %dma_wait3A_102 = arith.constant 0 : i32
      %dma_wait3A_103 = arith.constant 0 : i32
      %dma_wait3A_104 = tpu.memref_slice %arg4[%dma_wait3A_101, %dma_wait3A_102, %dma_wait3A_103] : memref<4096x200x128xf32, #tpu.memory_space<hbm>> -> memref<2x200x64xf32, #tpu.memory_space<hbm>>
      tpu.wait_dma2 semaphore(%arg7 : memref<!tpu.dma_semaphore, #tpu.memory_space<semaphore_mem>>) src(%dma_wait3A_104 : memref<2x200x64xf32, #tpu.memory_space<hbm>>) dst(%dma_wait3A_100 : memref<2x200x64xf32, #tpu.memory_space<vmem>>)
      %parallel_loop3A = arith.constant 0 : i32
      %parallel_loop3A_105 = arith.constant 200 : i32
      %parallel_loop3A_106 = arith.constant 1 : i32
      scf.for %parallel_loop3A_264 = %parallel_loop3A to %parallel_loop3A_105 step %parallel_loop3A_106  : i32 {
        %parallel_loop3A_265 = arith.constant 0 : i32
        %parallel_loop3A_266 = arith.constant 0 : i32
        %parallel_loop3A_267 = arith.index_cast %parallel_loop3A_265 : i32 to index
        %parallel_loop3A_268 = arith.index_cast %parallel_loop3A_266 : i32 to index
        %parallel_loop3A_269 = arith.index_cast %parallel_loop3A_264 : i32 to index
        %parallel_loop3A_270 = arith.constant 0 : index
        %parallel_loop3A_271 = tpu.vector_load %arg6[%parallel_loop3A_267, %parallel_loop3A_268, %parallel_loop3A_269, %parallel_loop3A_270] {strides = array<i32>} : memref<2x2x200x64xf32, #tpu.memory_space<vmem>>, vector<1x1x1x16xf32>,
        %parallel_loop3A_272 = vector.shape_cast %parallel_loop3A_271 : vector<1x1x1x16xf32> to vector<16xf32>
        %parallel_loop3A_273 = arith.constant 8.000000e+00 : f32
        %parallel_loop3A_274 = vector.broadcast %parallel_loop3A_273 : f32 to vector<16xf32>
        %parallel_loop3A_275 = arith.mulf %parallel_loop3A_272, %parallel_loop3A_274 : vector<16xf32>
        %parallel_loop3A_276 = arith.constant 0 : i32
        %parallel_loop3A_277 = arith.constant 0 : i32
        %parallel_loop3A_278 = arith.index_cast %parallel_loop3A_276 : i32 to index
        %parallel_loop3A_279 = arith.index_cast %parallel_loop3A_277 : i32 to index
        %parallel_loop3A_280 = arith.index_cast %parallel_loop3A_264 : i32 to index
        %parallel_loop3A_281 = arith.constant 0 : index
        %parallel_loop3A_282 = tpu.vector_load %arg6[%parallel_loop3A_278, %parallel_loop3A_279, %parallel_loop3A_280, %parallel_loop3A_281] {strides = array<i32>} : memref<2x2x200x64xf32, #tpu.memory_space<vmem>>, vector<1x1x1x16xf32>,
        %parallel_loop3A_283 = vector.shape_cast %parallel_loop3A_282 : vector<1x1x1x16xf32> to vector<16xf32>
        %parallel_loop3A_284 = vector.shape_cast %parallel_loop3A_275 : vector<16xf32> to vector<1x1x1x16xf32>
        tpu.vector_store %arg6[%parallel_loop3A_278, %parallel_loop3A_279, %parallel_loop3A_280, %parallel_loop3A_281], %parallel_loop3A_284 {strides = array<i32>} : memref<2x2x200x64xf32, #tpu.memory_space<vmem>>, vector<1x1x1x16xf32>,
        %parallel_loop3A_285 = arith.constant 0 : i32
        %parallel_loop3A_286 = arith.constant 0 : i32
        %parallel_loop3A_287 = arith.index_cast %parallel_loop3A_285 : i32 to index
        %parallel_loop3A_288 = arith.index_cast %parallel_loop3A_286 : i32 to index
        %parallel_loop3A_289 = arith.index_cast %parallel_loop3A_264 : i32 to index
        %parallel_loop3A_290 = arith.constant 16 : index
        %parallel_loop3A_291 = tpu.vector_load %arg6[%parallel_loop3A_287, %parallel_loop3A_288, %parallel_loop3A_289, %parallel_loop3A_290] {strides = array<i32>} : memref<2x2x200x64xf32, #tpu.memory_space<vmem>>, vector<1x1x1x16xf32>,
        %parallel_loop3A_292 = vector.shape_cast %parallel_loop3A_291 : vector<1x1x1x16xf32> to vector<16xf32>
        %parallel_loop3A_293 = arith.constant 8.000000e+00 : f32
        %parallel_loop3A_294 = vector.broadcast %parallel_loop3A_293 : f32 to vector<16xf32>
        %parallel_loop3A_295 = arith.mulf %parallel_loop3A_292, %parallel_loop3A_294 : vector<16xf32>
        %parallel_loop3A_296 = arith.constant 0 : i32
        %parallel_loop3A_297 = arith.constant 0 : i32
        %parallel_loop3A_298 = arith.index_cast %parallel_loop3A_296 : i32 to index
        %parallel_loop3A_299 = arith.index_cast %parallel_loop3A_297 : i32 to index
        %parallel_loop3A_300 = arith.index_cast %parallel_loop3A_264 : i32 to index
        %parallel_loop3A_301 = arith.constant 16 : index
        %parallel_loop3A_302 = tpu.vector_load %arg6[%parallel_loop3A_298, %parallel_loop3A_299, %parallel_loop3A_300, %parallel_loop3A_301] {strides = array<i32>} : memref<2x2x200x64xf32, #tpu.memory_space<vmem>>, vector<1x1x1x16xf32>,
        %parallel_loop3A_303 = vector.shape_cast %parallel_loop3A_302 : vector<1x1x1x16xf32> to vector<16xf32>
        %parallel_loop3A_304 = vector.shape_cast %parallel_loop3A_295 : vector<16xf32> to vector<1x1x1x16xf32>
        tpu.vector_store %arg6[%parallel_loop3A_298, %parallel_loop3A_299, %parallel_loop3A_300, %parallel_loop3A_301], %parallel_loop3A_304 {strides = array<i32>} : memref<2x2x200x64xf32, #tpu.memory_space<vmem>>, vector<1x1x1x16xf32>,
        %parallel_loop3A_305 = arith.constant 0 : i32
        %parallel_loop3A_306 = arith.constant 0 : i32
        %parallel_loop3A_307 = arith.index_cast %parallel_loop3A_305 : i32 to index
        %parallel_loop3A_308 = arith.index_cast %parallel_loop3A_306 : i32 to index
        %parallel_loop3A_309 = arith.index_cast %parallel_loop3A_264 : i32 to index
        %parallel_loop3A_310 = arith.constant 32 : index
        %parallel_loop3A_311 = tpu.vector_load %arg6[%parallel_loop3A_307, %parallel_loop3A_308, %parallel_loop3A_309, %parallel_loop3A_310] {strides = array<i32>} : memref<2x2x200x64xf32, #tpu.memory_space<vmem>>, vector<1x1x1x16xf32>,
        %parallel_loop3A_312 = vector.shape_cast %parallel_loop3A_311 : vector<1x1x1x16xf32> to vector<16xf32>
        %parallel_loop3A_313 = arith.constant 8.000000e+00 : f32
        %parallel_loop3A_314 = vector.broadcast %parallel_loop3A_313 : f32 to vector<16xf32>
        %parallel_loop3A_315 = arith.mulf %parallel_loop3A_312, %parallel_loop3A_314 : vector<16xf32>
        %parallel_loop3A_316 = arith.constant 0 : i32
        %parallel_loop3A_317 = arith.constant 0 : i32
        %parallel_loop3A_318 = arith.index_cast %parallel_loop3A_316 : i32 to index
        %parallel_loop3A_319 = arith.index_cast %parallel_loop3A_317 : i32 to index
        %parallel_loop3A_320 = arith.index_cast %parallel_loop3A_264 : i32 to index
        %parallel_loop3A_321 = arith.constant 32 : index
        %parallel_loop3A_322 = tpu.vector_load %arg6[%parallel_loop3A_318, %parallel_loop3A_319, %parallel_loop3A_320, %parallel_loop3A_321] {strides = array<i32>} : memref<2x2x200x64xf32, #tpu.memory_space<vmem>>, vector<1x1x1x16xf32>,
        %parallel_loop3A_323 = vector.shape_cast %parallel_loop3A_322 : vector<1x1x1x16xf32> to vector<16xf32>
        %parallel_loop3A_324 = vector.shape_cast %parallel_loop3A_315 : vector<16xf32> to vector<1x1x1x16xf32>
        tpu.vector_store %arg6[%parallel_loop3A_318, %parallel_loop3A_319, %parallel_loop3A_320, %parallel_loop3A_321], %parallel_loop3A_324 {strides = array<i32>} : memref<2x2x200x64xf32, #tpu.memory_space<vmem>>, vector<1x1x1x16xf32>,
        %parallel_loop3A_325 = arith.constant 0 : i32
        %parallel_loop3A_326 = arith.constant 0 : i32
        %parallel_loop3A_327 = arith.index_cast %parallel_loop3A_325 : i32 to index
        %parallel_loop3A_328 = arith.index_cast %parallel_loop3A_326 : i32 to index
        %parallel_loop3A_329 = arith.index_cast %parallel_loop3A_264 : i32 to index
        %parallel_loop3A_330 = arith.constant 48 : index
        %parallel_loop3A_331 = tpu.vector_load %arg6[%parallel_loop3A_327, %parallel_loop3A_328, %parallel_loop3A_329, %parallel_loop3A_330] {strides = array<i32>} : memref<2x2x200x64xf32, #tpu.memory_space<vmem>>, vector<1x1x1x16xf32>,
        %parallel_loop3A_332 = vector.shape_cast %parallel_loop3A_331 : vector<1x1x1x16xf32> to vector<16xf32>
        %parallel_loop3A_333 = arith.constant 8.000000e+00 : f32
        %parallel_loop3A_334 = vector.broadcast %parallel_loop3A_333 : f32 to vector<16xf32>
        %parallel_loop3A_335 = arith.mulf %parallel_loop3A_332, %parallel_loop3A_334 : vector<16xf32>
        %parallel_loop3A_336 = arith.constant 0 : i32
        %parallel_loop3A_337 = arith.constant 0 : i32
        %parallel_loop3A_338 = arith.index_cast %parallel_loop3A_336 : i32 to index
        %parallel_loop3A_339 = arith.index_cast %parallel_loop3A_337 : i32 to index
        %parallel_loop3A_340 = arith.index_cast %parallel_loop3A_264 : i32 to index
        %parallel_loop3A_341 = arith.constant 48 : index
        %parallel_loop3A_342 = tpu.vector_load %arg6[%parallel_loop3A_338, %parallel_loop3A_339, %parallel_loop3A_340, %parallel_loop3A_341] {strides = array<i32>} : memref<2x2x200x64xf32, #tpu.memory_space<vmem>>, vector<1x1x1x16xf32>,
        %parallel_loop3A_343 = vector.shape_cast %parallel_loop3A_342 : vector<1x1x1x16xf32> to vector<16xf32>
        %parallel_loop3A_344 = vector.shape_cast %parallel_loop3A_335 : vector<16xf32> to vector<1x1x1x16xf32>
        tpu.vector_store %arg6[%parallel_loop3A_338, %parallel_loop3A_339, %parallel_loop3A_340, %parallel_loop3A_341], %parallel_loop3A_344 {strides = array<i32>} : memref<2x2x200x64xf32, #tpu.memory_space<vmem>>, vector<1x1x1x16xf32>,
      } {sc.loop_unroll_factor = 8 : i64, sc.parallel_access}
      %parallel_loop3A_107 = arith.constant 0 : i32
      %parallel_loop3A_108 = arith.constant 200 : i32
      %parallel_loop3A_109 = arith.constant 1 : i32
      scf.for %parallel_loop3A_264 = %parallel_loop3A_107 to %parallel_loop3A_108 step %parallel_loop3A_109  : i32 {
        %parallel_loop3A_265 = arith.constant 0 : i32
        %parallel_loop3A_266 = arith.constant 1 : i32
        %parallel_loop3A_267 = arith.index_cast %parallel_loop3A_265 : i32 to index
        %parallel_loop3A_268 = arith.index_cast %parallel_loop3A_266 : i32 to index
        %parallel_loop3A_269 = arith.index_cast %parallel_loop3A_264 : i32 to index
        %parallel_loop3A_270 = arith.constant 0 : index
        %parallel_loop3A_271 = tpu.vector_load %arg6[%parallel_loop3A_267, %parallel_loop3A_268, %parallel_loop3A_269, %parallel_loop3A_270] {strides = array<i32>} : memref<2x2x200x64xf32, #tpu.memory_space<vmem>>, vector<1x1x1x16xf32>,
        %parallel_loop3A_272 = vector.shape_cast %parallel_loop3A_271 : vector<1x1x1x16xf32> to vector<16xf32>
        %parallel_loop3A_273 = arith.constant 8.000000e+00 : f32
        %parallel_loop3A_274 = vector.broadcast %parallel_loop3A_273 : f32 to vector<16xf32>
        %parallel_loop3A_275 = arith.mulf %parallel_loop3A_272, %parallel_loop3A_274 : vector<16xf32>
        %parallel_loop3A_276 = arith.constant 0 : i32
        %parallel_loop3A_277 = arith.constant 1 : i32
        %parallel_loop3A_278 = arith.index_cast %parallel_loop3A_276 : i32 to index
        %parallel_loop3A_279 = arith.index_cast %parallel_loop3A_277 : i32 to index
        %parallel_loop3A_280 = arith.index_cast %parallel_loop3A_264 : i32 to index
        %parallel_loop3A_281 = arith.constant 0 : index
        %parallel_loop3A_282 = tpu.vector_load %arg6[%parallel_loop3A_278, %parallel_loop3A_279, %parallel_loop3A_280, %parallel_loop3A_281] {strides = array<i32>} : memref<2x2x200x64xf32, #tpu.memory_space<vmem>>, vector<1x1x1x16xf32>,
        %parallel_loop3A_283 = vector.shape_cast %parallel_loop3A_282 : vector<1x1x1x16xf32> to vector<16xf32>
        %parallel_loop3A_284 = vector.shape_cast %parallel_loop3A_275 : vector<16xf32> to vector<1x1x1x16xf32>
        tpu.vector_store %arg6[%parallel_loop3A_278, %parallel_loop3A_279, %parallel_loop3A_280, %parallel_loop3A_281], %parallel_loop3A_284 {strides = array<i32>} : memref<2x2x200x64xf32, #tpu.memory_space<vmem>>, vector<1x1x1x16xf32>,
        %parallel_loop3A_285 = arith.constant 0 : i32
        %parallel_loop3A_286 = arith.constant 1 : i32
        %parallel_loop3A_287 = arith.index_cast %parallel_loop3A_285 : i32 to index
        %parallel_loop3A_288 = arith.index_cast %parallel_loop3A_286 : i32 to index
        %parallel_loop3A_289 = arith.index_cast %parallel_loop3A_264 : i32 to index
        %parallel_loop3A_290 = arith.constant 16 : index
        %parallel_loop3A_291 = tpu.vector_load %arg6[%parallel_loop3A_287, %parallel_loop3A_288, %parallel_loop3A_289, %parallel_loop3A_290] {strides = array<i32>} : memref<2x2x200x64xf32, #tpu.memory_space<vmem>>, vector<1x1x1x16xf32>,
        %parallel_loop3A_292 = vector.shape_cast %parallel_loop3A_291 : vector<1x1x1x16xf32> to vector<16xf32>
        %parallel_loop3A_293 = arith.constant 8.000000e+00 : f32
        %parallel_loop3A_294 = vector.broadcast %parallel_loop3A_293 : f32 to vector<16xf32>
        %parallel_loop3A_295 = arith.mulf %parallel_loop3A_292, %parallel_loop3A_294 : vector<16xf32>
        %parallel_loop3A_296 = arith.constant 0 : i32
        %parallel_loop3A_297 = arith.constant 1 : i32
        %parallel_loop3A_298 = arith.index_cast %parallel_loop3A_296 : i32 to index
        %parallel_loop3A_299 = arith.index_cast %parallel_loop3A_297 : i32 to index
        %parallel_loop3A_300 = arith.index_cast %parallel_loop3A_264 : i32 to index
        %parallel_loop3A_301 = arith.constant 16 : index
        %parallel_loop3A_302 = tpu.vector_load %arg6[%parallel_loop3A_298, %parallel_loop3A_299, %parallel_loop3A_300, %parallel_loop3A_301] {strides = array<i32>} : memref<2x2x200x64xf32, #tpu.memory_space<vmem>>, vector<1x1x1x16xf32>,
        %parallel_loop3A_303 = vector.shape_cast %parallel_loop3A_302 : vector<1x1x1x16xf32> to vector<16xf32>
        %parallel_loop3A_304 = vector.shape_cast %parallel_loop3A_295 : vector<16xf32> to vector<1x1x1x16xf32>
        tpu.vector_store %arg6[%parallel_loop3A_298, %parallel_loop3A_299, %parallel_loop3A_300, %parallel_loop3A_301], %parallel_loop3A_304 {strides = array<i32>} : memref<2x2x200x64xf32, #tpu.memory_space<vmem>>, vector<1x1x1x16xf32>,
        %parallel_loop3A_305 = arith.constant 0 : i32
        %parallel_loop3A_306 = arith.constant 1 : i32
        %parallel_loop3A_307 = arith.index_cast %parallel_loop3A_305 : i32 to index
        %parallel_loop3A_308 = arith.index_cast %parallel_loop3A_306 : i32 to index
        %parallel_loop3A_309 = arith.index_cast %parallel_loop3A_264 : i32 to index
        %parallel_loop3A_310 = arith.constant 32 : index
        %parallel_loop3A_311 = tpu.vector_load %arg6[%parallel_loop3A_307, %parallel_loop3A_308, %parallel_loop3A_309, %parallel_loop3A_310] {strides = array<i32>} : memref<2x2x200x64xf32, #tpu.memory_space<vmem>>, vector<1x1x1x16xf32>,
        %parallel_loop3A_312 = vector.shape_cast %parallel_loop3A_311 : vector<1x1x1x16xf32> to vector<16xf32>
        %parallel_loop3A_313 = arith.constant 8.000000e+00 : f32
        %parallel_loop3A_314 = vector.broadcast %parallel_loop3A_313 : f32 to vector<16xf32>
        %parallel_loop3A_315 = arith.mulf %parallel_loop3A_312, %parallel_loop3A_314 : vector<16xf32>
        %parallel_loop3A_316 = arith.constant 0 : i32
        %parallel_loop3A_317 = arith.constant 1 : i32
        %parallel_loop3A_318 = arith.index_cast %parallel_loop3A_316 : i32 to index
        %parallel_loop3A_319 = arith.index_cast %parallel_loop3A_317 : i32 to index
        %parallel_loop3A_320 = arith.index_cast %parallel_loop3A_264 : i32 to index
        %parallel_loop3A_321 = arith.constant 32 : index
        %parallel_loop3A_322 = tpu.vector_load %arg6[%parallel_loop3A_318, %parallel_loop3A_319, %parallel_loop3A_320, %parallel_loop3A_321] {strides = array<i32>} : memref<2x2x200x64xf32, #tpu.memory_space<vmem>>, vector<1x1x1x16xf32>,
        %parallel_loop3A_323 = vector.shape_cast %parallel_loop3A_322 : vector<1x1x1x16xf32> to vector<16xf32>
        %parallel_loop3A_324 = vector.shape_cast %parallel_loop3A_315 : vector<16xf32> to vector<1x1x1x16xf32>
        tpu.vector_store %arg6[%parallel_loop3A_318, %parallel_loop3A_319, %parallel_loop3A_320, %parallel_loop3A_321], %parallel_loop3A_324 {strides = array<i32>} : memref<2x2x200x64xf32, #tpu.memory_space<vmem>>, vector<1x1x1x16xf32>,
        %parallel_loop3A_325 = arith.constant 0 : i32
        %parallel_loop3A_326 = arith.constant 1 : i32
        %parallel_loop3A_327 = arith.index_cast %parallel_loop3A_325 : i32 to index
        %parallel_loop3A_328 = arith.index_cast %parallel_loop3A_326 : i32 to index
        %parallel_loop3A_329 = arith.index_cast %parallel_loop3A_264 : i32 to index
        %parallel_loop3A_330 = arith.constant 48 : index
        %parallel_loop3A_331 = tpu.vector_load %arg6[%parallel_loop3A_327, %parallel_loop3A_328, %parallel_loop3A_329, %parallel_loop3A_330] {strides = array<i32>} : memref<2x2x200x64xf32, #tpu.memory_space<vmem>>, vector<1x1x1x16xf32>,
        %parallel_loop3A_332 = vector.shape_cast %parallel_loop3A_331 : vector<1x1x1x16xf32> to vector<16xf32>
        %parallel_loop3A_333 = arith.constant 8.000000e+00 : f32
        %parallel_loop3A_334 = vector.broadcast %parallel_loop3A_333 : f32 to vector<16xf32>
        %parallel_loop3A_335 = arith.mulf %parallel_loop3A_332, %parallel_loop3A_334 : vector<16xf32>
        %parallel_loop3A_336 = arith.constant 0 : i32
        %parallel_loop3A_337 = arith.constant 1 : i32
        %parallel_loop3A_338 = arith.index_cast %parallel_loop3A_336 : i32 to index
        %parallel_loop3A_339 = arith.index_cast %parallel_loop3A_337 : i32 to index
        %parallel_loop3A_340 = arith.index_cast %parallel_loop3A_264 : i32 to index
        %parallel_loop3A_341 = arith.constant 48 : index
        %parallel_loop3A_342 = tpu.vector_load %arg6[%parallel_loop3A_338, %parallel_loop3A_339, %parallel_loop3A_340, %parallel_loop3A_341] {strides = array<i32>} : memref<2x2x200x64xf32, #tpu.memory_space<vmem>>, vector<1x1x1x16xf32>,
        %parallel_loop3A_343 = vector.shape_cast %parallel_loop3A_342 : vector<1x1x1x16xf32> to vector<16xf32>
        %parallel_loop3A_344 = vector.shape_cast %parallel_loop3A_335 : vector<16xf32> to vector<1x1x1x16xf32>
        tpu.vector_store %arg6[%parallel_loop3A_338, %parallel_loop3A_339, %parallel_loop3A_340, %parallel_loop3A_341], %parallel_loop3A_344 {strides = array<i32>} : memref<2x2x200x64xf32, #tpu.memory_space<vmem>>, vector<1x1x1x16xf32>,
      } {sc.loop_unroll_factor = 8 : i64, sc.parallel_access}
      %gt3A = arith.constant 0 : i32
      %gt3A_110 = arith.cmpi sgt, %scan3A_83, %gt3A : i32
      %convert_element_type3A = arith.extui %gt3A_110 : i1 to i32
      %cond3A = arith.constant 0 : i32
      %cond3A_111 = arith.cmpi ne, %convert_element_type3A, %cond3A : i32
      scf.if %cond3A_111 {
        %dma_wait3A_264 = arith.constant 1 : i32
        %dma_wait3A_265 = arith.constant 0 : i32
        %dma_wait3A_266 = arith.constant 0 : i32
        %dma_wait3A_267 = arith.constant 0 : i32
        %dma_wait3A_268 = tpu.memref_slice %arg6[%dma_wait3A_264, %dma_wait3A_265, %dma_wait3A_266, %dma_wait3A_267] : memref<2x2x200x64xf32, #tpu.memory_space<vmem>> -> memref<1x2x200x64xf32, #tpu.memory_space<vmem>>
        %dma_wait3A_269 = tpu.memref_squeeze %dma_wait3A_268 : memref<1x2x200x64xf32, #tpu.memory_space<vmem>> -> memref<2x200x64xf32, #tpu.memory_space<vmem>>
        %dma_wait3A_270 = arith.constant 0 : i32
        %dma_wait3A_271 = arith.constant 0 : i32
        %dma_wait3A_272 = arith.constant 0 : i32
        %dma_wait3A_273 = tpu.memref_slice %arg4[%dma_wait3A_270, %dma_wait3A_271, %dma_wait3A_272] : memref<4096x200x128xf32, #tpu.memory_space<hbm>> -> memref<2x200x64xf32, #tpu.memory_space<hbm>>
        %dma_wait3A_274 = arith.constant 0 : i32
        %dma_wait3A_275 = arith.constant 0 : i32
        %dma_wait3A_276 = arith.constant 0 : i32
        %dma_wait3A_277 = tpu.memref_slice %arg4[%dma_wait3A_274, %dma_wait3A_275, %dma_wait3A_276] : memref<4096x200x128xf32, #tpu.memory_space<hbm>> -> memref<2x200x64xf32, #tpu.memory_space<hbm>>
        %dma_wait3A_278 = arith.constant 0 : i32
        %dma_wait3A_279 = arith.constant 0 : i32
        %dma_wait3A_280 = arith.constant 0 : i32
        %dma_wait3A_281 = tpu.memref_slice %arg6[%dma_wait3A_264, %dma_wait3A_278, %dma_wait3A_279, %dma_wait3A_280] : memref<2x2x200x64xf32, #tpu.memory_space<vmem>> -> memref<1x2x200x64xf32, #tpu.memory_space<vmem>>
        %dma_wait3A_282 = tpu.memref_squeeze %dma_wait3A_281 : memref<1x2x200x64xf32, #tpu.memory_space<vmem>> -> memref<2x200x64xf32, #tpu.memory_space<vmem>>
        tpu.wait_dma2 semaphore(%arg10 : memref<!tpu.dma_semaphore, #tpu.memory_space<semaphore_mem>>) src(%dma_wait3A_282 : memref<2x200x64xf32, #tpu.memory_space<vmem>>) dst(%dma_wait3A_277 : memref<2x200x64xf32, #tpu.memory_space<hbm>>)
      } else {
      }
      %add3A_112 = arith.constant 1 : i32
      %add3A_113 = arith.addi %mul3A_85, %add3A_112 : i32
      %mul3A_114 = arith.constant 2 : i32
      %mul3A_115 = arith.muli %add3A_113, %mul3A_114 : i32
      %add3A_116 = arith.addi %mul3A_2, %mul3A_115 : i32
      %run_scoped3A_117 = arith.constant 1 : i32
      "tpu.region"() ({
        %run_scoped3A_264 = tpu.sem_alloc : memref<!tpu.dma_semaphore, #tpu.memory_space<semaphore_mem>>
        %dma_start3A_265 = arith.constant 0 : i32
        %dma_start3A_266 = arith.constant 0 : i32
        %dma_start3A_267 = tpu.memref_slice %arg5[%run_scoped3A_117, %dma_start3A_265, %dma_start3A_266] : memref<2x2x200xi32, #tpu.memory_space<vmem>> -> memref<1x2x200xi32, #tpu.memory_space<vmem>>
        %dma_start3A_268 = tpu.memref_squeeze %dma_start3A_267 : memref<1x2x200xi32, #tpu.memory_space<vmem>> -> memref<2x200xi32, #tpu.memory_space<vmem>>
        %dma_start3A_269 = arith.constant 0 : i32
        %dma_start3A_270 = tpu.memref_slice %arg2[%add3A_116, %dma_start3A_269] : memref<4096x200xi32, #tpu.memory_space<hbm>> -> memref<2x200xi32, #tpu.memory_space<hbm>>
        %dma_start3A_271 = arith.constant 0 : i32
        %dma_start3A_272 = arith.constant 0 : i32
        %dma_start3A_273 = tpu.memref_slice %arg5[%run_scoped3A_117, %dma_start3A_271, %dma_start3A_272] : memref<2x2x200xi32, #tpu.memory_space<vmem>> -> memref<1x2x200xi32, #tpu.memory_space<vmem>>
        %dma_start3A_274 = tpu.memref_squeeze %dma_start3A_273 : memref<1x2x200xi32, #tpu.memory_space<vmem>> -> memref<2x200xi32, #tpu.memory_space<vmem>>
        %dma_start3A_275 = arith.constant 0 : i32
        %dma_start3A_276 = tpu.memref_slice %arg2[%add3A_116, %dma_start3A_275] : memref<4096x200xi32, #tpu.memory_space<hbm>> -> memref<2x200xi32, #tpu.memory_space<hbm>>
        tpu.enqueue_dma source(%dma_start3A_276 : memref<2x200xi32, #tpu.memory_space<hbm>>) target(%dma_start3A_274 : memref<2x200xi32, #tpu.memory_space<vmem>>) target_semaphore(%run_scoped3A_264 : memref<!tpu.dma_semaphore, #tpu.memory_space<semaphore_mem>>)
        %dma_wait3A_277 = arith.constant 0 : i32
        %dma_wait3A_278 = arith.constant 0 : i32
        %dma_wait3A_279 = tpu.memref_slice %arg5[%run_scoped3A_117, %dma_wait3A_277, %dma_wait3A_278] : memref<2x2x200xi32, #tpu.memory_space<vmem>> -> memref<1x2x200xi32, #tpu.memory_space<vmem>>
        %dma_wait3A_280 = tpu.memref_squeeze %dma_wait3A_279 : memref<1x2x200xi32, #tpu.memory_space<vmem>> -> memref<2x200xi32, #tpu.memory_space<vmem>>
        %dma_wait3A_281 = arith.constant 0 : i32
        %dma_wait3A_282 = tpu.memref_slice %arg2[%add3A_116, %dma_wait3A_281] : memref<4096x200xi32, #tpu.memory_space<hbm>> -> memref<2x200xi32, #tpu.memory_space<hbm>>
        %dma_wait3A_283 = arith.constant 0 : i32
        %dma_wait3A_284 = arith.constant 0 : i32
        %dma_wait3A_285 = tpu.memref_slice %arg5[%run_scoped3A_117, %dma_wait3A_283, %dma_wait3A_284] : memref<2x2x200xi32, #tpu.memory_space<vmem>> -> memref<1x2x200xi32, #tpu.memory_space<vmem>>
        %dma_wait3A_286 = tpu.memref_squeeze %dma_wait3A_285 : memref<1x2x200xi32, #tpu.memory_space<vmem>> -> memref<2x200xi32, #tpu.memory_space<vmem>>
        %dma_wait3A_287 = arith.constant 0 : i32
        %dma_wait3A_288 = tpu.memref_slice %arg2[%add3A_116, %dma_wait3A_287] : memref<4096x200xi32, #tpu.memory_space<hbm>> -> memref<2x200xi32, #tpu.memory_space<hbm>>
        tpu.wait_dma2 semaphore(%run_scoped3A_264 : memref<!tpu.dma_semaphore, #tpu.memory_space<semaphore_mem>>) src(%dma_wait3A_288 : memref<2x200xi32, #tpu.memory_space<hbm>>) dst(%dma_wait3A_286 : memref<2x200xi32, #tpu.memory_space<vmem>>)
        tpu.yield
      }) : () -> ()
      %dma_start3A_118 = arith.constant 1 : i32
      %dma_start3A_119 = arith.constant 0 : i32
      %dma_start3A_120 = arith.constant 1 : i32
      %dma_start3A_121 = arith.constant 0 : i32
      %dma_start3A_122 = arith.constant 0 : i32
      %dma_start3A_123 = arith.constant 0 : i32
      %dma_start3A_124 = tpu.memref_slice %arg6[%dma_start3A_120, %dma_start3A_121, %dma_start3A_122, %dma_start3A_123] : memref<2x2x200x64xf32, #tpu.memory_space<vmem>> -> memref<1x1x128x64xf32, #tpu.memory_space<vmem>>
      %dma_start3A_125 = tpu.memref_squeeze %dma_start3A_124 : memref<1x1x128x64xf32, #tpu.memory_space<vmem>> -> memref<128x64xf32, #tpu.memory_space<vmem>>
      %dma_start3A_126 = arith.constant 0 : i32
      %dma_start3A_127 = tpu.memref_slice %arg5[%dma_start3A_118, %dma_start3A_119, %dma_start3A_126] : memref<2x2x200xi32, #tpu.memory_space<vmem>> -> memref<1x1x128xi32, #tpu.memory_space<vmem>>
      %dma_start3A_128 = tpu.memref_squeeze %dma_start3A_127 : memref<1x1x128xi32, #tpu.memory_space<vmem>> -> memref<128xi32, #tpu.memory_space<vmem>>
      %dma_start3A_129 = arith.constant 0 : i32
      %dma_start3A_130 = arith.constant 0 : i32
      %dma_start3A_131 = tpu.memref_slice %arg3[%dma_start3A_129, %dma_start3A_130] : memref<1000000x64xf32, #tpu.memory_space<hbm>> -> memref<1000000x64xf32, #tpu.memory_space<hbm>>
      tpu.enqueue_indirect_dma source(%dma_start3A_131 : memref<1000000x64xf32, #tpu.memory_space<hbm>>) target(%dma_start3A_125 : memref<128x64xf32, #tpu.memory_space<vmem>>) offsets(%dma_start3A_128 : memref<128xi32, #tpu.memory_space<vmem>>) semaphore(%arg8 : memref<!tpu.dma_semaphore, #tpu.memory_space<semaphore_mem>>)
      %dma_start3A_132 = arith.constant 1 : i32
      %dma_start3A_133 = arith.constant 0 : i32
      %dma_start3A_134 = arith.constant 1 : i32
      %dma_start3A_135 = arith.constant 0 : i32
      %dma_start3A_136 = arith.constant 128 : i32
      %dma_start3A_137 = arith.constant 0 : i32
      %dma_start3A_138 = tpu.memref_slice %arg6[%dma_start3A_134, %dma_start3A_135, %dma_start3A_136, %dma_start3A_137] : memref<2x2x200x64xf32, #tpu.memory_space<vmem>> -> memref<1x1x72x64xf32, #tpu.memory_space<vmem>>
      %dma_start3A_139 = tpu.memref_squeeze %dma_start3A_138 : memref<1x1x72x64xf32, #tpu.memory_space<vmem>> -> memref<72x64xf32, #tpu.memory_space<vmem>>
      %dma_start3A_140 = arith.constant 128 : i32
      %dma_start3A_141 = tpu.memref_slice %arg5[%dma_start3A_132, %dma_start3A_133, %dma_start3A_140] : memref<2x2x200xi32, #tpu.memory_space<vmem>> -> memref<1x1x72xi32, #tpu.memory_space<vmem>>
      %dma_start3A_142 = tpu.memref_squeeze %dma_start3A_141 : memref<1x1x72xi32, #tpu.memory_space<vmem>> -> memref<72xi32, #tpu.memory_space<vmem>>
      %dma_start3A_143 = arith.constant 0 : i32
      %dma_start3A_144 = arith.constant 0 : i32
      %dma_start3A_145 = tpu.memref_slice %arg3[%dma_start3A_143, %dma_start3A_144] : memref<1000000x64xf32, #tpu.memory_space<hbm>> -> memref<1000000x64xf32, #tpu.memory_space<hbm>>
      tpu.enqueue_indirect_dma source(%dma_start3A_145 : memref<1000000x64xf32, #tpu.memory_space<hbm>>) target(%dma_start3A_139 : memref<72x64xf32, #tpu.memory_space<vmem>>) offsets(%dma_start3A_142 : memref<72xi32, #tpu.memory_space<vmem>>) semaphore(%arg8 : memref<!tpu.dma_semaphore, #tpu.memory_space<semaphore_mem>>)
      %dma_start3A_146 = arith.constant 1 : i32
      %dma_start3A_147 = arith.constant 1 : i32
      %dma_start3A_148 = arith.constant 1 : i32
      %dma_start3A_149 = arith.constant 1 : i32
      %dma_start3A_150 = arith.constant 0 : i32
      %dma_start3A_151 = arith.constant 0 : i32
      %dma_start3A_152 = tpu.memref_slice %arg6[%dma_start3A_148, %dma_start3A_149, %dma_start3A_150, %dma_start3A_151] : memref<2x2x200x64xf32, #tpu.memory_space<vmem>> -> memref<1x1x128x64xf32, #tpu.memory_space<vmem>>
      %dma_start3A_153 = tpu.memref_squeeze %dma_start3A_152 : memref<1x1x128x64xf32, #tpu.memory_space<vmem>> -> memref<128x64xf32, #tpu.memory_space<vmem>>
      %dma_start3A_154 = arith.constant 0 : i32
      %dma_start3A_155 = tpu.memref_slice %arg5[%dma_start3A_146, %dma_start3A_147, %dma_start3A_154] : memref<2x2x200xi32, #tpu.memory_space<vmem>> -> memref<1x1x128xi32, #tpu.memory_space<vmem>>
      %dma_start3A_156 = tpu.memref_squeeze %dma_start3A_155 : memref<1x1x128xi32, #tpu.memory_space<vmem>> -> memref<128xi32, #tpu.memory_space<vmem>>
      %dma_start3A_157 = arith.constant 0 : i32
      %dma_start3A_158 = arith.constant 0 : i32
      %dma_start3A_159 = tpu.memref_slice %arg3[%dma_start3A_157, %dma_start3A_158] : memref<1000000x64xf32, #tpu.memory_space<hbm>> -> memref<1000000x64xf32, #tpu.memory_space<hbm>>
      tpu.enqueue_indirect_dma source(%dma_start3A_159 : memref<1000000x64xf32, #tpu.memory_space<hbm>>) target(%dma_start3A_153 : memref<128x64xf32, #tpu.memory_space<vmem>>) offsets(%dma_start3A_156 : memref<128xi32, #tpu.memory_space<vmem>>) semaphore(%arg8 : memref<!tpu.dma_semaphore, #tpu.memory_space<semaphore_mem>>)
      %dma_start3A_160 = arith.constant 1 : i32
      %dma_start3A_161 = arith.constant 1 : i32
      %dma_start3A_162 = arith.constant 1 : i32
      %dma_start3A_163 = arith.constant 1 : i32
      %dma_start3A_164 = arith.constant 128 : i32
      %dma_start3A_165 = arith.constant 0 : i32
      %dma_start3A_166 = tpu.memref_slice %arg6[%dma_start3A_162, %dma_start3A_163, %dma_start3A_164, %dma_start3A_165] : memref<2x2x200x64xf32, #tpu.memory_space<vmem>> -> memref<1x1x72x64xf32, #tpu.memory_space<vmem>>
      %dma_start3A_167 = tpu.memref_squeeze %dma_start3A_166 : memref<1x1x72x64xf32, #tpu.memory_space<vmem>> -> memref<72x64xf32, #tpu.memory_space<vmem>>
      %dma_start3A_168 = arith.constant 128 : i32
      %dma_start3A_169 = tpu.memref_slice %arg5[%dma_start3A_160, %dma_start3A_161, %dma_start3A_168] : memref<2x2x200xi32, #tpu.memory_space<vmem>> -> memref<1x1x72xi32, #tpu.memory_space<vmem>>
      %dma_start3A_170 = tpu.memref_squeeze %dma_start3A_169 : memref<1x1x72xi32, #tpu.memory_space<vmem>> -> memref<72xi32, #tpu.memory_space<vmem>>
      %dma_start3A_171 = arith.constant 0 : i32
      %dma_start3A_172 = arith.constant 0 : i32
      %dma_start3A_173 = tpu.memref_slice %arg3[%dma_start3A_171, %dma_start3A_172] : memref<1000000x64xf32, #tpu.memory_space<hbm>> -> memref<1000000x64xf32, #tpu.memory_space<hbm>>
      tpu.enqueue_indirect_dma source(%dma_start3A_173 : memref<1000000x64xf32, #tpu.memory_space<hbm>>) target(%dma_start3A_167 : memref<72x64xf32, #tpu.memory_space<vmem>>) offsets(%dma_start3A_170 : memref<72xi32, #tpu.memory_space<vmem>>) semaphore(%arg8 : memref<!tpu.dma_semaphore, #tpu.memory_space<semaphore_mem>>)
      %mul3A_174 = arith.constant 2 : i32
      %mul3A_175 = arith.muli %mul3A_85, %mul3A_174 : i32
      %add3A_176 = arith.addi %mul3A_2, %mul3A_175 : i32
      %dma_start3A_177 = arith.constant 0 : i32
      %dma_start3A_178 = arith.constant 0 : i32
      %dma_start3A_179 = arith.constant 0 : i32
      %dma_start3A_180 = arith.constant 0 : i32
      %dma_start3A_181 = tpu.memref_slice %arg6[%dma_start3A_177, %dma_start3A_178, %dma_start3A_179, %dma_start3A_180] : memref<2x2x200x64xf32, #tpu.memory_space<vmem>> -> memref<1x2x200x64xf32, #tpu.memory_space<vmem>>
      %dma_start3A_182 = tpu.memref_squeeze %dma_start3A_181 : memref<1x2x200x64xf32, #tpu.memory_space<vmem>> -> memref<2x200x64xf32, #tpu.memory_space<vmem>>
      %dma_start3A_183 = arith.constant 0 : i32
      %dma_start3A_184 = arith.constant 0 : i32
      %dma_start3A_185 = tpu.memref_slice %arg4[%add3A_176, %dma_start3A_183, %dma_start3A_184] : memref<4096x200x128xf32, #tpu.memory_space<hbm>> -> memref<2x200x64xf32, #tpu.memory_space<hbm>>
      %dma_start3A_186 = arith.constant 0 : i32
      %dma_start3A_187 = arith.constant 0 : i32
      %dma_start3A_188 = tpu.memref_slice %arg4[%add3A_176, %dma_start3A_186, %dma_start3A_187] : memref<4096x200x128xf32, #tpu.memory_space<hbm>> -> memref<2x200x64xf32, #tpu.memory_space<hbm>>
      %dma_start3A_189 = arith.constant 0 : i32
      %dma_start3A_190 = arith.constant 0 : i32
      %dma_start3A_191 = arith.constant 0 : i32
      %dma_start3A_192 = tpu.memref_slice %arg6[%dma_start3A_177, %dma_start3A_189, %dma_start3A_190, %dma_start3A_191] : memref<2x2x200x64xf32, #tpu.memory_space<vmem>> -> memref<1x2x200x64xf32, #tpu.memory_space<vmem>>
      %dma_start3A_193 = tpu.memref_squeeze %dma_start3A_192 : memref<1x2x200x64xf32, #tpu.memory_space<vmem>> -> memref<2x200x64xf32, #tpu.memory_space<vmem>>
      tpu.enqueue_dma source(%dma_start3A_193 : memref<2x200x64xf32, #tpu.memory_space<vmem>>) target(%dma_start3A_188 : memref<2x200x64xf32, #tpu.memory_space<hbm>>) target_semaphore(%arg9 : memref<!tpu.dma_semaphore, #tpu.memory_space<semaphore_mem>>)
      %dma_wait3A_194 = arith.constant 1 : i32
      %dma_wait3A_195 = arith.constant 0 : i32
      %dma_wait3A_196 = arith.constant 0 : i32
      %dma_wait3A_197 = arith.constant 0 : i32
      %dma_wait3A_198 = tpu.memref_slice %arg6[%dma_wait3A_194, %dma_wait3A_195, %dma_wait3A_196, %dma_wait3A_197] : memref<2x2x200x64xf32, #tpu.memory_space<vmem>> -> memref<1x2x200x64xf32, #tpu.memory_space<vmem>>
      %dma_wait3A_199 = tpu.memref_squeeze %dma_wait3A_198 : memref<1x2x200x64xf32, #tpu.memory_space<vmem>> -> memref<2x200x64xf32, #tpu.memory_space<vmem>>
      %dma_wait3A_200 = arith.constant 0 : i32
      %dma_wait3A_201 = arith.constant 0 : i32
      %dma_wait3A_202 = arith.constant 0 : i32
      %dma_wait3A_203 = tpu.memref_slice %arg4[%dma_wait3A_200, %dma_wait3A_201, %dma_wait3A_202] : memref<4096x200x128xf32, #tpu.memory_space<hbm>> -> memref<2x200x64xf32, #tpu.memory_space<hbm>>
      %dma_wait3A_204 = arith.constant 0 : i32
      %dma_wait3A_205 = arith.constant 0 : i32
      %dma_wait3A_206 = arith.constant 0 : i32
      %dma_wait3A_207 = tpu.memref_slice %arg6[%dma_wait3A_194, %dma_wait3A_204, %dma_wait3A_205, %dma_wait3A_206] : memref<2x2x200x64xf32, #tpu.memory_space<vmem>> -> memref<1x2x200x64xf32, #tpu.memory_space<vmem>>
      %dma_wait3A_208 = tpu.memref_squeeze %dma_wait3A_207 : memref<1x2x200x64xf32, #tpu.memory_space<vmem>> -> memref<2x200x64xf32, #tpu.memory_space<vmem>>
      %dma_wait3A_209 = arith.constant 0 : i32
      %dma_wait3A_210 = arith.constant 0 : i32
      %dma_wait3A_211 = arith.constant 0 : i32
      %dma_wait3A_212 = tpu.memref_slice %arg4[%dma_wait3A_209, %dma_wait3A_210, %dma_wait3A_211] : memref<4096x200x128xf32, #tpu.memory_space<hbm>> -> memref<2x200x64xf32, #tpu.memory_space<hbm>>
      tpu.wait_dma2 semaphore(%arg8 : memref<!tpu.dma_semaphore, #tpu.memory_space<semaphore_mem>>) src(%dma_wait3A_212 : memref<2x200x64xf32, #tpu.memory_space<hbm>>) dst(%dma_wait3A_208 : memref<2x200x64xf32, #tpu.memory_space<vmem>>)
      %parallel_loop3A_213 = arith.constant 0 : i32
      %parallel_loop3A_214 = arith.constant 200 : i32
      %parallel_loop3A_215 = arith.constant 1 : i32
      scf.for %parallel_loop3A_264 = %parallel_loop3A_213 to %parallel_loop3A_214 step %parallel_loop3A_215  : i32 {
        %parallel_loop3A_265 = arith.constant 1 : i32
        %parallel_loop3A_266 = arith.constant 0 : i32
        %parallel_loop3A_267 = arith.index_cast %parallel_loop3A_265 : i32 to index
        %parallel_loop3A_268 = arith.index_cast %parallel_loop3A_266 : i32 to index
        %parallel_loop3A_269 = arith.index_cast %parallel_loop3A_264 : i32 to index
        %parallel_loop3A_270 = arith.constant 0 : index
        %parallel_loop3A_271 = tpu.vector_load %arg6[%parallel_loop3A_267, %parallel_loop3A_268, %parallel_loop3A_269, %parallel_loop3A_270] {strides = array<i32>} : memref<2x2x200x64xf32, #tpu.memory_space<vmem>>, vector<1x1x1x16xf32>,
        %parallel_loop3A_272 = vector.shape_cast %parallel_loop3A_271 : vector<1x1x1x16xf32> to vector<16xf32>
        %parallel_loop3A_273 = arith.constant 8.000000e+00 : f32
        %parallel_loop3A_274 = vector.broadcast %parallel_loop3A_273 : f32 to vector<16xf32>
        %parallel_loop3A_275 = arith.mulf %parallel_loop3A_272, %parallel_loop3A_274 : vector<16xf32>
        %parallel_loop3A_276 = arith.constant 1 : i32
        %parallel_loop3A_277 = arith.constant 0 : i32
        %parallel_loop3A_278 = arith.index_cast %parallel_loop3A_276 : i32 to index
        %parallel_loop3A_279 = arith.index_cast %parallel_loop3A_277 : i32 to index
        %parallel_loop3A_280 = arith.index_cast %parallel_loop3A_264 : i32 to index
        %parallel_loop3A_281 = arith.constant 0 : index
        %parallel_loop3A_282 = tpu.vector_load %arg6[%parallel_loop3A_278, %parallel_loop3A_279, %parallel_loop3A_280, %parallel_loop3A_281] {strides = array<i32>} : memref<2x2x200x64xf32, #tpu.memory_space<vmem>>, vector<1x1x1x16xf32>,
        %parallel_loop3A_283 = vector.shape_cast %parallel_loop3A_282 : vector<1x1x1x16xf32> to vector<16xf32>
        %parallel_loop3A_284 = vector.shape_cast %parallel_loop3A_275 : vector<16xf32> to vector<1x1x1x16xf32>
        tpu.vector_store %arg6[%parallel_loop3A_278, %parallel_loop3A_279, %parallel_loop3A_280, %parallel_loop3A_281], %parallel_loop3A_284 {strides = array<i32>} : memref<2x2x200x64xf32, #tpu.memory_space<vmem>>, vector<1x1x1x16xf32>,
        %parallel_loop3A_285 = arith.constant 1 : i32
        %parallel_loop3A_286 = arith.constant 0 : i32
        %parallel_loop3A_287 = arith.index_cast %parallel_loop3A_285 : i32 to index
        %parallel_loop3A_288 = arith.index_cast %parallel_loop3A_286 : i32 to index
        %parallel_loop3A_289 = arith.index_cast %parallel_loop3A_264 : i32 to index
        %parallel_loop3A_290 = arith.constant 16 : index
        %parallel_loop3A_291 = tpu.vector_load %arg6[%parallel_loop3A_287, %parallel_loop3A_288, %parallel_loop3A_289, %parallel_loop3A_290] {strides = array<i32>} : memref<2x2x200x64xf32, #tpu.memory_space<vmem>>, vector<1x1x1x16xf32>,
        %parallel_loop3A_292 = vector.shape_cast %parallel_loop3A_291 : vector<1x1x1x16xf32> to vector<16xf32>
        %parallel_loop3A_293 = arith.constant 8.000000e+00 : f32
        %parallel_loop3A_294 = vector.broadcast %parallel_loop3A_293 : f32 to vector<16xf32>
        %parallel_loop3A_295 = arith.mulf %parallel_loop3A_292, %parallel_loop3A_294 : vector<16xf32>
        %parallel_loop3A_296 = arith.constant 1 : i32
        %parallel_loop3A_297 = arith.constant 0 : i32
        %parallel_loop3A_298 = arith.index_cast %parallel_loop3A_296 : i32 to index
        %parallel_loop3A_299 = arith.index_cast %parallel_loop3A_297 : i32 to index
        %parallel_loop3A_300 = arith.index_cast %parallel_loop3A_264 : i32 to index
        %parallel_loop3A_301 = arith.constant 16 : index
        %parallel_loop3A_302 = tpu.vector_load %arg6[%parallel_loop3A_298, %parallel_loop3A_299, %parallel_loop3A_300, %parallel_loop3A_301] {strides = array<i32>} : memref<2x2x200x64xf32, #tpu.memory_space<vmem>>, vector<1x1x1x16xf32>,
        %parallel_loop3A_303 = vector.shape_cast %parallel_loop3A_302 : vector<1x1x1x16xf32> to vector<16xf32>
        %parallel_loop3A_304 = vector.shape_cast %parallel_loop3A_295 : vector<16xf32> to vector<1x1x1x16xf32>
        tpu.vector_store %arg6[%parallel_loop3A_298, %parallel_loop3A_299, %parallel_loop3A_300, %parallel_loop3A_301], %parallel_loop3A_304 {strides = array<i32>} : memref<2x2x200x64xf32, #tpu.memory_space<vmem>>, vector<1x1x1x16xf32>,
        %parallel_loop3A_305 = arith.constant 1 : i32
        %parallel_loop3A_306 = arith.constant 0 : i32
        %parallel_loop3A_307 = arith.index_cast %parallel_loop3A_305 : i32 to index
        %parallel_loop3A_308 = arith.index_cast %parallel_loop3A_306 : i32 to index
        %parallel_loop3A_309 = arith.index_cast %parallel_loop3A_264 : i32 to index
        %parallel_loop3A_310 = arith.constant 32 : index
        %parallel_loop3A_311 = tpu.vector_load %arg6[%parallel_loop3A_307, %parallel_loop3A_308, %parallel_loop3A_309, %parallel_loop3A_310] {strides = array<i32>} : memref<2x2x200x64xf32, #tpu.memory_space<vmem>>, vector<1x1x1x16xf32>,
        %parallel_loop3A_312 = vector.shape_cast %parallel_loop3A_311 : vector<1x1x1x16xf32> to vector<16xf32>
        %parallel_loop3A_313 = arith.constant 8.000000e+00 : f32
        %parallel_loop3A_314 = vector.broadcast %parallel_loop3A_313 : f32 to vector<16xf32>
        %parallel_loop3A_315 = arith.mulf %parallel_loop3A_312, %parallel_loop3A_314 : vector<16xf32>
        %parallel_loop3A_316 = arith.constant 1 : i32
        %parallel_loop3A_317 = arith.constant 0 : i32
        %parallel_loop3A_318 = arith.index_cast %parallel_loop3A_316 : i32 to index
        %parallel_loop3A_319 = arith.index_cast %parallel_loop3A_317 : i32 to index
        %parallel_loop3A_320 = arith.index_cast %parallel_loop3A_264 : i32 to index
        %parallel_loop3A_321 = arith.constant 32 : index
        %parallel_loop3A_322 = tpu.vector_load %arg6[%parallel_loop3A_318, %parallel_loop3A_319, %parallel_loop3A_320, %parallel_loop3A_321] {strides = array<i32>} : memref<2x2x200x64xf32, #tpu.memory_space<vmem>>, vector<1x1x1x16xf32>,
        %parallel_loop3A_323 = vector.shape_cast %parallel_loop3A_322 : vector<1x1x1x16xf32> to vector<16xf32>
        %parallel_loop3A_324 = vector.shape_cast %parallel_loop3A_315 : vector<16xf32> to vector<1x1x1x16xf32>
        tpu.vector_store %arg6[%parallel_loop3A_318, %parallel_loop3A_319, %parallel_loop3A_320, %parallel_loop3A_321], %parallel_loop3A_324 {strides = array<i32>} : memref<2x2x200x64xf32, #tpu.memory_space<vmem>>, vector<1x1x1x16xf32>,
        %parallel_loop3A_325 = arith.constant 1 : i32
        %parallel_loop3A_326 = arith.constant 0 : i32
        %parallel_loop3A_327 = arith.index_cast %parallel_loop3A_325 : i32 to index
        %parallel_loop3A_328 = arith.index_cast %parallel_loop3A_326 : i32 to index
        %parallel_loop3A_329 = arith.index_cast %parallel_loop3A_264 : i32 to index
        %parallel_loop3A_330 = arith.constant 48 : index
        %parallel_loop3A_331 = tpu.vector_load %arg6[%parallel_loop3A_327, %parallel_loop3A_328, %parallel_loop3A_329, %parallel_loop3A_330] {strides = array<i32>} : memref<2x2x200x64xf32, #tpu.memory_space<vmem>>, vector<1x1x1x16xf32>,
        %parallel_loop3A_332 = vector.shape_cast %parallel_loop3A_331 : vector<1x1x1x16xf32> to vector<16xf32>
        %parallel_loop3A_333 = arith.constant 8.000000e+00 : f32
        %parallel_loop3A_334 = vector.broadcast %parallel_loop3A_333 : f32 to vector<16xf32>
        %parallel_loop3A_335 = arith.mulf %parallel_loop3A_332, %parallel_loop3A_334 : vector<16xf32>
        %parallel_loop3A_336 = arith.constant 1 : i32
        %parallel_loop3A_337 = arith.constant 0 : i32
        %parallel_loop3A_338 = arith.index_cast %parallel_loop3A_336 : i32 to index
        %parallel_loop3A_339 = arith.index_cast %parallel_loop3A_337 : i32 to index
        %parallel_loop3A_340 = arith.index_cast %parallel_loop3A_264 : i32 to index
        %parallel_loop3A_341 = arith.constant 48 : index
        %parallel_loop3A_342 = tpu.vector_load %arg6[%parallel_loop3A_338, %parallel_loop3A_339, %parallel_loop3A_340, %parallel_loop3A_341] {strides = array<i32>} : memref<2x2x200x64xf32, #tpu.memory_space<vmem>>, vector<1x1x1x16xf32>,
        %parallel_loop3A_343 = vector.shape_cast %parallel_loop3A_342 : vector<1x1x1x16xf32> to vector<16xf32>
        %parallel_loop3A_344 = vector.shape_cast %parallel_loop3A_335 : vector<16xf32> to vector<1x1x1x16xf32>
        tpu.vector_store %arg6[%parallel_loop3A_338, %parallel_loop3A_339, %parallel_loop3A_340, %parallel_loop3A_341], %parallel_loop3A_344 {strides = array<i32>} : memref<2x2x200x64xf32, #tpu.memory_space<vmem>>, vector<1x1x1x16xf32>,
      } {sc.loop_unroll_factor = 8 : i64, sc.parallel_access}
      %parallel_loop3A_216 = arith.constant 0 : i32
      %parallel_loop3A_217 = arith.constant 200 : i32
      %parallel_loop3A_218 = arith.constant 1 : i32
      scf.for %parallel_loop3A_264 = %parallel_loop3A_216 to %parallel_loop3A_217 step %parallel_loop3A_218  : i32 {
        %parallel_loop3A_265 = arith.constant 1 : i32
        %parallel_loop3A_266 = arith.constant 1 : i32
        %parallel_loop3A_267 = arith.index_cast %parallel_loop3A_265 : i32 to index
        %parallel_loop3A_268 = arith.index_cast %parallel_loop3A_266 : i32 to index
        %parallel_loop3A_269 = arith.index_cast %parallel_loop3A_264 : i32 to index
        %parallel_loop3A_270 = arith.constant 0 : index
        %parallel_loop3A_271 = tpu.vector_load %arg6[%parallel_loop3A_267, %parallel_loop3A_268, %parallel_loop3A_269, %parallel_loop3A_270] {strides = array<i32>} : memref<2x2x200x64xf32, #tpu.memory_space<vmem>>, vector<1x1x1x16xf32>,
        %parallel_loop3A_272 = vector.shape_cast %parallel_loop3A_271 : vector<1x1x1x16xf32> to vector<16xf32>
        %parallel_loop3A_273 = arith.constant 8.000000e+00 : f32
        %parallel_loop3A_274 = vector.broadcast %parallel_loop3A_273 : f32 to vector<16xf32>
        %parallel_loop3A_275 = arith.mulf %parallel_loop3A_272, %parallel_loop3A_274 : vector<16xf32>
        %parallel_loop3A_276 = arith.constant 1 : i32
        %parallel_loop3A_277 = arith.constant 1 : i32
        %parallel_loop3A_278 = arith.index_cast %parallel_loop3A_276 : i32 to index
        %parallel_loop3A_279 = arith.index_cast %parallel_loop3A_277 : i32 to index
        %parallel_loop3A_280 = arith.index_cast %parallel_loop3A_264 : i32 to index
        %parallel_loop3A_281 = arith.constant 0 : index
        %parallel_loop3A_282 = tpu.vector_load %arg6[%parallel_loop3A_278, %parallel_loop3A_279, %parallel_loop3A_280, %parallel_loop3A_281] {strides = array<i32>} : memref<2x2x200x64xf32, #tpu.memory_space<vmem>>, vector<1x1x1x16xf32>,
        %parallel_loop3A_283 = vector.shape_cast %parallel_loop3A_282 : vector<1x1x1x16xf32> to vector<16xf32>
        %parallel_loop3A_284 = vector.shape_cast %parallel_loop3A_275 : vector<16xf32> to vector<1x1x1x16xf32>
        tpu.vector_store %arg6[%parallel_loop3A_278, %parallel_loop3A_279, %parallel_loop3A_280, %parallel_loop3A_281], %parallel_loop3A_284 {strides = array<i32>} : memref<2x2x200x64xf32, #tpu.memory_space<vmem>>, vector<1x1x1x16xf32>,
        %parallel_loop3A_285 = arith.constant 1 : i32
        %parallel_loop3A_286 = arith.constant 1 : i32
        %parallel_loop3A_287 = arith.index_cast %parallel_loop3A_285 : i32 to index
        %parallel_loop3A_288 = arith.index_cast %parallel_loop3A_286 : i32 to index
        %parallel_loop3A_289 = arith.index_cast %parallel_loop3A_264 : i32 to index
        %parallel_loop3A_290 = arith.constant 16 : index
        %parallel_loop3A_291 = tpu.vector_load %arg6[%parallel_loop3A_287, %parallel_loop3A_288, %parallel_loop3A_289, %parallel_loop3A_290] {strides = array<i32>} : memref<2x2x200x64xf32, #tpu.memory_space<vmem>>, vector<1x1x1x16xf32>,
        %parallel_loop3A_292 = vector.shape_cast %parallel_loop3A_291 : vector<1x1x1x16xf32> to vector<16xf32>
        %parallel_loop3A_293 = arith.constant 8.000000e+00 : f32
        %parallel_loop3A_294 = vector.broadcast %parallel_loop3A_293 : f32 to vector<16xf32>
        %parallel_loop3A_295 = arith.mulf %parallel_loop3A_292, %parallel_loop3A_294 : vector<16xf32>
        %parallel_loop3A_296 = arith.constant 1 : i32
        %parallel_loop3A_297 = arith.constant 1 : i32
        %parallel_loop3A_298 = arith.index_cast %parallel_loop3A_296 : i32 to index
        %parallel_loop3A_299 = arith.index_cast %parallel_loop3A_297 : i32 to index
        %parallel_loop3A_300 = arith.index_cast %parallel_loop3A_264 : i32 to index
        %parallel_loop3A_301 = arith.constant 16 : index
        %parallel_loop3A_302 = tpu.vector_load %arg6[%parallel_loop3A_298, %parallel_loop3A_299, %parallel_loop3A_300, %parallel_loop3A_301] {strides = array<i32>} : memref<2x2x200x64xf32, #tpu.memory_space<vmem>>, vector<1x1x1x16xf32>,
        %parallel_loop3A_303 = vector.shape_cast %parallel_loop3A_302 : vector<1x1x1x16xf32> to vector<16xf32>
        %parallel_loop3A_304 = vector.shape_cast %parallel_loop3A_295 : vector<16xf32> to vector<1x1x1x16xf32>
        tpu.vector_store %arg6[%parallel_loop3A_298, %parallel_loop3A_299, %parallel_loop3A_300, %parallel_loop3A_301], %parallel_loop3A_304 {strides = array<i32>} : memref<2x2x200x64xf32, #tpu.memory_space<vmem>>, vector<1x1x1x16xf32>,
        %parallel_loop3A_305 = arith.constant 1 : i32
        %parallel_loop3A_306 = arith.constant 1 : i32
        %parallel_loop3A_307 = arith.index_cast %parallel_loop3A_305 : i32 to index
        %parallel_loop3A_308 = arith.index_cast %parallel_loop3A_306 : i32 to index
        %parallel_loop3A_309 = arith.index_cast %parallel_loop3A_264 : i32 to index
        %parallel_loop3A_310 = arith.constant 32 : index
        %parallel_loop3A_311 = tpu.vector_load %arg6[%parallel_loop3A_307, %parallel_loop3A_308, %parallel_loop3A_309, %parallel_loop3A_310] {strides = array<i32>} : memref<2x2x200x64xf32, #tpu.memory_space<vmem>>, vector<1x1x1x16xf32>,
        %parallel_loop3A_312 = vector.shape_cast %parallel_loop3A_311 : vector<1x1x1x16xf32> to vector<16xf32>
        %parallel_loop3A_313 = arith.constant 8.000000e+00 : f32
        %parallel_loop3A_314 = vector.broadcast %parallel_loop3A_313 : f32 to vector<16xf32>
        %parallel_loop3A_315 = arith.mulf %parallel_loop3A_312, %parallel_loop3A_314 : vector<16xf32>
        %parallel_loop3A_316 = arith.constant 1 : i32
        %parallel_loop3A_317 = arith.constant 1 : i32
        %parallel_loop3A_318 = arith.index_cast %parallel_loop3A_316 : i32 to index
        %parallel_loop3A_319 = arith.index_cast %parallel_loop3A_317 : i32 to index
        %parallel_loop3A_320 = arith.index_cast %parallel_loop3A_264 : i32 to index
        %parallel_loop3A_321 = arith.constant 32 : index
        %parallel_loop3A_322 = tpu.vector_load %arg6[%parallel_loop3A_318, %parallel_loop3A_319, %parallel_loop3A_320, %parallel_loop3A_321] {strides = array<i32>} : memref<2x2x200x64xf32, #tpu.memory_space<vmem>>, vector<1x1x1x16xf32>,
        %parallel_loop3A_323 = vector.shape_cast %parallel_loop3A_322 : vector<1x1x1x16xf32> to vector<16xf32>
        %parallel_loop3A_324 = vector.shape_cast %parallel_loop3A_315 : vector<16xf32> to vector<1x1x1x16xf32>
        tpu.vector_store %arg6[%parallel_loop3A_318, %parallel_loop3A_319, %parallel_loop3A_320, %parallel_loop3A_321], %parallel_loop3A_324 {strides = array<i32>} : memref<2x2x200x64xf32, #tpu.memory_space<vmem>>, vector<1x1x1x16xf32>,
        %parallel_loop3A_325 = arith.constant 1 : i32
        %parallel_loop3A_326 = arith.constant 1 : i32
        %parallel_loop3A_327 = arith.index_cast %parallel_loop3A_325 : i32 to index
        %parallel_loop3A_328 = arith.index_cast %parallel_loop3A_326 : i32 to index
        %parallel_loop3A_329 = arith.index_cast %parallel_loop3A_264 : i32 to index
        %parallel_loop3A_330 = arith.constant 48 : index
        %parallel_loop3A_331 = tpu.vector_load %arg6[%parallel_loop3A_327, %parallel_loop3A_328, %parallel_loop3A_329, %parallel_loop3A_330] {strides = array<i32>} : memref<2x2x200x64xf32, #tpu.memory_space<vmem>>, vector<1x1x1x16xf32>,
        %parallel_loop3A_332 = vector.shape_cast %parallel_loop3A_331 : vector<1x1x1x16xf32> to vector<16xf32>
        %parallel_loop3A_333 = arith.constant 8.000000e+00 : f32
        %parallel_loop3A_334 = vector.broadcast %parallel_loop3A_333 : f32 to vector<16xf32>
        %parallel_loop3A_335 = arith.mulf %parallel_loop3A_332, %parallel_loop3A_334 : vector<16xf32>
        %parallel_loop3A_336 = arith.constant 1 : i32
        %parallel_loop3A_337 = arith.constant 1 : i32
        %parallel_loop3A_338 = arith.index_cast %parallel_loop3A_336 : i32 to index
        %parallel_loop3A_339 = arith.index_cast %parallel_loop3A_337 : i32 to index
        %parallel_loop3A_340 = arith.index_cast %parallel_loop3A_264 : i32 to index
        %parallel_loop3A_341 = arith.constant 48 : index
        %parallel_loop3A_342 = tpu.vector_load %arg6[%parallel_loop3A_338, %parallel_loop3A_339, %parallel_loop3A_340, %parallel_loop3A_341] {strides = array<i32>} : memref<2x2x200x64xf32, #tpu.memory_space<vmem>>, vector<1x1x1x16xf32>,
        %parallel_loop3A_343 = vector.shape_cast %parallel_loop3A_342 : vector<1x1x1x16xf32> to vector<16xf32>
        %parallel_loop3A_344 = vector.shape_cast %parallel_loop3A_335 : vector<16xf32> to vector<1x1x1x16xf32>
        tpu.vector_store %arg6[%parallel_loop3A_338, %parallel_loop3A_339, %parallel_loop3A_340, %parallel_loop3A_341], %parallel_loop3A_344 {strides = array<i32>} : memref<2x2x200x64xf32, #tpu.memory_space<vmem>>, vector<1x1x1x16xf32>,
      } {sc.loop_unroll_factor = 8 : i64, sc.parallel_access}
      %dma_wait3A_219 = arith.constant 0 : i32
      %dma_wait3A_220 = arith.constant 0 : i32
      %dma_wait3A_221 = arith.constant 0 : i32
      %dma_wait3A_222 = arith.constant 0 : i32
      %dma_wait3A_223 = tpu.memref_slice %arg6[%dma_wait3A_219, %dma_wait3A_220, %dma_wait3A_221, %dma_wait3A_222] : memref<2x2x200x64xf32, #tpu.memory_space<vmem>> -> memref<1x2x200x64xf32, #tpu.memory_space<vmem>>
      %dma_wait3A_224 = tpu.memref_squeeze %dma_wait3A_223 : memref<1x2x200x64xf32, #tpu.memory_space<vmem>> -> memref<2x200x64xf32, #tpu.memory_space<vmem>>
      %dma_wait3A_225 = arith.constant 0 : i32
      %dma_wait3A_226 = arith.constant 0 : i32
      %dma_wait3A_227 = arith.constant 0 : i32
      %dma_wait3A_228 = tpu.memref_slice %arg4[%dma_wait3A_225, %dma_wait3A_226, %dma_wait3A_227] : memref<4096x200x128xf32, #tpu.memory_space<hbm>> -> memref<2x200x64xf32, #tpu.memory_space<hbm>>
      %dma_wait3A_229 = arith.constant 0 : i32
      %dma_wait3A_230 = arith.constant 0 : i32
      %dma_wait3A_231 = arith.constant 0 : i32
      %dma_wait3A_232 = tpu.memref_slice %arg4[%dma_wait3A_229, %dma_wait3A_230, %dma_wait3A_231] : memref<4096x200x128xf32, #tpu.memory_space<hbm>> -> memref<2x200x64xf32, #tpu.memory_space<hbm>>
      %dma_wait3A_233 = arith.constant 0 : i32
      %dma_wait3A_234 = arith.constant 0 : i32
      %dma_wait3A_235 = arith.constant 0 : i32
      %dma_wait3A_236 = tpu.memref_slice %arg6[%dma_wait3A_219, %dma_wait3A_233, %dma_wait3A_234, %dma_wait3A_235] : memref<2x2x200x64xf32, #tpu.memory_space<vmem>> -> memref<1x2x200x64xf32, #tpu.memory_space<vmem>>
      %dma_wait3A_237 = tpu.memref_squeeze %dma_wait3A_236 : memref<1x2x200x64xf32, #tpu.memory_space<vmem>> -> memref<2x200x64xf32, #tpu.memory_space<vmem>>
      tpu.wait_dma2 semaphore(%arg9 : memref<!tpu.dma_semaphore, #tpu.memory_space<semaphore_mem>>) src(%dma_wait3A_237 : memref<2x200x64xf32, #tpu.memory_space<vmem>>) dst(%dma_wait3A_232 : memref<2x200x64xf32, #tpu.memory_space<hbm>>)
      %lt3A = arith.constant 31 : i32
      %lt3A_238 = arith.cmpi slt, %scan3A_83, %lt3A : i32
      %convert_element_type3A_239 = arith.extui %lt3A_238 : i1 to i32
      %cond3A_240 = arith.constant 0 : i32
      %cond3A_241 = arith.cmpi ne, %convert_element_type3A_239, %cond3A_240 : i32
      scf.if %cond3A_241 {
        %add3A_264 = arith.constant 2 : i32
        %add3A_265 = arith.addi %mul3A_85, %add3A_264 : i32
        %mul3A_266 = arith.constant 2 : i32
        %mul3A_267 = arith.muli %add3A_265, %mul3A_266 : i32
        %add3A_268 = arith.addi %mul3A_2, %mul3A_267 : i32
        %run_scoped3A_269 = arith.constant 0 : i32
        "tpu.region"() ({
          %run_scoped3A_326 = tpu.sem_alloc : memref<!tpu.dma_semaphore, #tpu.memory_space<semaphore_mem>>
          %dma_start3A_327 = arith.constant 0 : i32
          %dma_start3A_328 = arith.constant 0 : i32
          %dma_start3A_329 = tpu.memref_slice %arg5[%run_scoped3A_269, %dma_start3A_327, %dma_start3A_328] : memref<2x2x200xi32, #tpu.memory_space<vmem>> -> memref<1x2x200xi32, #tpu.memory_space<vmem>>
          %dma_start3A_330 = tpu.memref_squeeze %dma_start3A_329 : memref<1x2x200xi32, #tpu.memory_space<vmem>> -> memref<2x200xi32, #tpu.memory_space<vmem>>
          %dma_start3A_331 = arith.constant 0 : i32
          %dma_start3A_332 = tpu.memref_slice %arg2[%add3A_268, %dma_start3A_331] : memref<4096x200xi32, #tpu.memory_space<hbm>> -> memref<2x200xi32, #tpu.memory_space<hbm>>
          %dma_start3A_333 = arith.constant 0 : i32
          %dma_start3A_334 = arith.constant 0 : i32
          %dma_start3A_335 = tpu.memref_slice %arg5[%run_scoped3A_269, %dma_start3A_333, %dma_start3A_334] : memref<2x2x200xi32, #tpu.memory_space<vmem>> -> memref<1x2x200xi32, #tpu.memory_space<vmem>>
          %dma_start3A_336 = tpu.memref_squeeze %dma_start3A_335 : memref<1x2x200xi32, #tpu.memory_space<vmem>> -> memref<2x200xi32, #tpu.memory_space<vmem>>
          %dma_start3A_337 = arith.constant 0 : i32
          %dma_start3A_338 = tpu.memref_slice %arg2[%add3A_268, %dma_start3A_337] : memref<4096x200xi32, #tpu.memory_space<hbm>> -> memref<2x200xi32, #tpu.memory_space<hbm>>
          tpu.enqueue_dma source(%dma_start3A_338 : memref<2x200xi32, #tpu.memory_space<hbm>>) target(%dma_start3A_336 : memref<2x200xi32, #tpu.memory_space<vmem>>) target_semaphore(%run_scoped3A_326 : memref<!tpu.dma_semaphore, #tpu.memory_space<semaphore_mem>>)
          %dma_wait3A_339 = arith.constant 0 : i32
          %dma_wait3A_340 = arith.constant 0 : i32
          %dma_wait3A_341 = tpu.memref_slice %arg5[%run_scoped3A_269, %dma_wait3A_339, %dma_wait3A_340] : memref<2x2x200xi32, #tpu.memory_space<vmem>> -> memref<1x2x200xi32, #tpu.memory_space<vmem>>
          %dma_wait3A_342 = tpu.memref_squeeze %dma_wait3A_341 : memref<1x2x200xi32, #tpu.memory_space<vmem>> -> memref<2x200xi32, #tpu.memory_space<vmem>>
          %dma_wait3A_343 = arith.constant 0 : i32
          %dma_wait3A_344 = tpu.memref_slice %arg2[%add3A_268, %dma_wait3A_343] : memref<4096x200xi32, #tpu.memory_space<hbm>> -> memref<2x200xi32, #tpu.memory_space<hbm>>
          %dma_wait3A_345 = arith.constant 0 : i32
          %dma_wait3A_346 = arith.constant 0 : i32
          %dma_wait3A_347 = tpu.memref_slice %arg5[%run_scoped3A_269, %dma_wait3A_345, %dma_wait3A_346] : memref<2x2x200xi32, #tpu.memory_space<vmem>> -> memref<1x2x200xi32, #tpu.memory_space<vmem>>
          %dma_wait3A_348 = tpu.memref_squeeze %dma_wait3A_347 : memref<1x2x200xi32, #tpu.memory_space<vmem>> -> memref<2x200xi32, #tpu.memory_space<vmem>>
          %dma_wait3A_349 = arith.constant 0 : i32
          %dma_wait3A_350 = tpu.memref_slice %arg2[%add3A_268, %dma_wait3A_349] : memref<4096x200xi32, #tpu.memory_space<hbm>> -> memref<2x200xi32, #tpu.memory_space<hbm>>
          tpu.wait_dma2 semaphore(%run_scoped3A_326 : memref<!tpu.dma_semaphore, #tpu.memory_space<semaphore_mem>>) src(%dma_wait3A_350 : memref<2x200xi32, #tpu.memory_space<hbm>>) dst(%dma_wait3A_348 : memref<2x200xi32, #tpu.memory_space<vmem>>)
          tpu.yield
        }) : () -> ()
        %dma_start3A_270 = arith.constant 0 : i32
        %dma_start3A_271 = arith.constant 0 : i32
        %dma_start3A_272 = arith.constant 0 : i32
        %dma_start3A_273 = arith.constant 0 : i32
        %dma_start3A_274 = arith.constant 0 : i32
        %dma_start3A_275 = arith.constant 0 : i32
        %dma_start3A_276 = tpu.memref_slice %arg6[%dma_start3A_272, %dma_start3A_273, %dma_start3A_274, %dma_start3A_275] : memref<2x2x200x64xf32, #tpu.memory_space<vmem>> -> memref<1x1x128x64xf32, #tpu.memory_space<vmem>>
        %dma_start3A_277 = tpu.memref_squeeze %dma_start3A_276 : memref<1x1x128x64xf32, #tpu.memory_space<vmem>> -> memref<128x64xf32, #tpu.memory_space<vmem>>
        %dma_start3A_278 = arith.constant 0 : i32
        %dma_start3A_279 = tpu.memref_slice %arg5[%dma_start3A_270, %dma_start3A_271, %dma_start3A_278] : memref<2x2x200xi32, #tpu.memory_space<vmem>> -> memref<1x1x128xi32, #tpu.memory_space<vmem>>
        %dma_start3A_280 = tpu.memref_squeeze %dma_start3A_279 : memref<1x1x128xi32, #tpu.memory_space<vmem>> -> memref<128xi32, #tpu.memory_space<vmem>>
        %dma_start3A_281 = arith.constant 0 : i32
        %dma_start3A_282 = arith.constant 0 : i32
        %dma_start3A_283 = tpu.memref_slice %arg3[%dma_start3A_281, %dma_start3A_282] : memref<1000000x64xf32, #tpu.memory_space<hbm>> -> memref<1000000x64xf32, #tpu.memory_space<hbm>>
        tpu.enqueue_indirect_dma source(%dma_start3A_283 : memref<1000000x64xf32, #tpu.memory_space<hbm>>) target(%dma_start3A_277 : memref<128x64xf32, #tpu.memory_space<vmem>>) offsets(%dma_start3A_280 : memref<128xi32, #tpu.memory_space<vmem>>) semaphore(%arg7 : memref<!tpu.dma_semaphore, #tpu.memory_space<semaphore_mem>>)
        %dma_start3A_284 = arith.constant 0 : i32
        %dma_start3A_285 = arith.constant 0 : i32
        %dma_start3A_286 = arith.constant 0 : i32
        %dma_start3A_287 = arith.constant 0 : i32
        %dma_start3A_288 = arith.constant 128 : i32
        %dma_start3A_289 = arith.constant 0 : i32
        %dma_start3A_290 = tpu.memref_slice %arg6[%dma_start3A_286, %dma_start3A_287, %dma_start3A_288, %dma_start3A_289] : memref<2x2x200x64xf32, #tpu.memory_space<vmem>> -> memref<1x1x72x64xf32, #tpu.memory_space<vmem>>
        %dma_start3A_291 = tpu.memref_squeeze %dma_start3A_290 : memref<1x1x72x64xf32, #tpu.memory_space<vmem>> -> memref<72x64xf32, #tpu.memory_space<vmem>>
        %dma_start3A_292 = arith.constant 128 : i32
        %dma_start3A_293 = tpu.memref_slice %arg5[%dma_start3A_284, %dma_start3A_285, %dma_start3A_292] : memref<2x2x200xi32, #tpu.memory_space<vmem>> -> memref<1x1x72xi32, #tpu.memory_space<vmem>>
        %dma_start3A_294 = tpu.memref_squeeze %dma_start3A_293 : memref<1x1x72xi32, #tpu.memory_space<vmem>> -> memref<72xi32, #tpu.memory_space<vmem>>
        %dma_start3A_295 = arith.constant 0 : i32
        %dma_start3A_296 = arith.constant 0 : i32
        %dma_start3A_297 = tpu.memref_slice %arg3[%dma_start3A_295, %dma_start3A_296] : memref<1000000x64xf32, #tpu.memory_space<hbm>> -> memref<1000000x64xf32, #tpu.memory_space<hbm>>
        tpu.enqueue_indirect_dma source(%dma_start3A_297 : memref<1000000x64xf32, #tpu.memory_space<hbm>>) target(%dma_start3A_291 : memref<72x64xf32, #tpu.memory_space<vmem>>) offsets(%dma_start3A_294 : memref<72xi32, #tpu.memory_space<vmem>>) semaphore(%arg7 : memref<!tpu.dma_semaphore, #tpu.memory_space<semaphore_mem>>)
        %dma_start3A_298 = arith.constant 0 : i32
        %dma_start3A_299 = arith.constant 1 : i32
        %dma_start3A_300 = arith.constant 0 : i32
        %dma_start3A_301 = arith.constant 1 : i32
        %dma_start3A_302 = arith.constant 0 : i32
        %dma_start3A_303 = arith.constant 0 : i32
        %dma_start3A_304 = tpu.memref_slice %arg6[%dma_start3A_300, %dma_start3A_301, %dma_start3A_302, %dma_start3A_303] : memref<2x2x200x64xf32, #tpu.memory_space<vmem>> -> memref<1x1x128x64xf32, #tpu.memory_space<vmem>>
        %dma_start3A_305 = tpu.memref_squeeze %dma_start3A_304 : memref<1x1x128x64xf32, #tpu.memory_space<vmem>> -> memref<128x64xf32, #tpu.memory_space<vmem>>
        %dma_start3A_306 = arith.constant 0 : i32
        %dma_start3A_307 = tpu.memref_slice %arg5[%dma_start3A_298, %dma_start3A_299, %dma_start3A_306] : memref<2x2x200xi32, #tpu.memory_space<vmem>> -> memref<1x1x128xi32, #tpu.memory_space<vmem>>
        %dma_start3A_308 = tpu.memref_squeeze %dma_start3A_307 : memref<1x1x128xi32, #tpu.memory_space<vmem>> -> memref<128xi32, #tpu.memory_space<vmem>>
        %dma_start3A_309 = arith.constant 0 : i32
        %dma_start3A_310 = arith.constant 0 : i32
        %dma_start3A_311 = tpu.memref_slice %arg3[%dma_start3A_309, %dma_start3A_310] : memref<1000000x64xf32, #tpu.memory_space<hbm>> -> memref<1000000x64xf32, #tpu.memory_space<hbm>>
        tpu.enqueue_indirect_dma source(%dma_start3A_311 : memref<1000000x64xf32, #tpu.memory_space<hbm>>) target(%dma_start3A_305 : memref<128x64xf32, #tpu.memory_space<vmem>>) offsets(%dma_start3A_308 : memref<128xi32, #tpu.memory_space<vmem>>) semaphore(%arg7 : memref<!tpu.dma_semaphore, #tpu.memory_space<semaphore_mem>>)
        %dma_start3A_312 = arith.constant 0 : i32
        %dma_start3A_313 = arith.constant 1 : i32
        %dma_start3A_314 = arith.constant 0 : i32
        %dma_start3A_315 = arith.constant 1 : i32
        %dma_start3A_316 = arith.constant 128 : i32
        %dma_start3A_317 = arith.constant 0 : i32
        %dma_start3A_318 = tpu.memref_slice %arg6[%dma_start3A_314, %dma_start3A_315, %dma_start3A_316, %dma_start3A_317] : memref<2x2x200x64xf32, #tpu.memory_space<vmem>> -> memref<1x1x72x64xf32, #tpu.memory_space<vmem>>
        %dma_start3A_319 = tpu.memref_squeeze %dma_start3A_318 : memref<1x1x72x64xf32, #tpu.memory_space<vmem>> -> memref<72x64xf32, #tpu.memory_space<vmem>>
        %dma_start3A_320 = arith.constant 128 : i32
        %dma_start3A_321 = tpu.memref_slice %arg5[%dma_start3A_312, %dma_start3A_313, %dma_start3A_320] : memref<2x2x200xi32, #tpu.memory_space<vmem>> -> memref<1x1x72xi32, #tpu.memory_space<vmem>>
        %dma_start3A_322 = tpu.memref_squeeze %dma_start3A_321 : memref<1x1x72xi32, #tpu.memory_space<vmem>> -> memref<72xi32, #tpu.memory_space<vmem>>
        %dma_start3A_323 = arith.constant 0 : i32
        %dma_start3A_324 = arith.constant 0 : i32
        %dma_start3A_325 = tpu.memref_slice %arg3[%dma_start3A_323, %dma_start3A_324] : memref<1000000x64xf32, #tpu.memory_space<hbm>> -> memref<1000000x64xf32, #tpu.memory_space<hbm>>
        tpu.enqueue_indirect_dma source(%dma_start3A_325 : memref<1000000x64xf32, #tpu.memory_space<hbm>>) target(%dma_start3A_319 : memref<72x64xf32, #tpu.memory_space<vmem>>) offsets(%dma_start3A_322 : memref<72xi32, #tpu.memory_space<vmem>>) semaphore(%arg7 : memref<!tpu.dma_semaphore, #tpu.memory_space<semaphore_mem>>)
      } else {
      }
      %add3A_242 = arith.constant 1 : i32
      %add3A_243 = arith.addi %mul3A_85, %add3A_242 : i32
      %mul3A_244 = arith.constant 2 : i32
      %mul3A_245 = arith.muli %add3A_243, %mul3A_244 : i32
      %add3A_246 = arith.addi %mul3A_2, %mul3A_245 : i32
      %dma_start3A_247 = arith.constant 1 : i32
      %dma_start3A_248 = arith.constant 0 : i32
      %dma_start3A_249 = arith.constant 0 : i32
      %dma_start3A_250 = arith.constant 0 : i32
      %dma_start3A_251 = tpu.memref_slice %arg6[%dma_start3A_247, %dma_start3A_248, %dma_start3A_249, %dma_start3A_250] : memref<2x2x200x64xf32, #tpu.memory_space<vmem>> -> memref<1x2x200x64xf32, #tpu.memory_space<vmem>>
      %dma_start3A_252 = tpu.memref_squeeze %dma_start3A_251 : memref<1x2x200x64xf32, #tpu.memory_space<vmem>> -> memref<2x200x64xf32, #tpu.memory_space<vmem>>
      %dma_start3A_253 = arith.constant 0 : i32
      %dma_start3A_254 = arith.constant 0 : i32
      %dma_start3A_255 = tpu.memref_slice %arg4[%add3A_246, %dma_start3A_253, %dma_start3A_254] : memref<4096x200x128xf32, #tpu.memory_space<hbm>> -> memref<2x200x64xf32, #tpu.memory_space<hbm>>
      %dma_start3A_256 = arith.constant 0 : i32
      %dma_start3A_257 = arith.constant 0 : i32
      %dma_start3A_258 = tpu.memref_slice %arg4[%add3A_246, %dma_start3A_256, %dma_start3A_257] : memref<4096x200x128xf32, #tpu.memory_space<hbm>> -> memref<2x200x64xf32, #tpu.memory_space<hbm>>
      %dma_start3A_259 = arith.constant 0 : i32
      %dma_start3A_260 = arith.constant 0 : i32
      %dma_start3A_261 = arith.constant 0 : i32
      %dma_start3A_262 = tpu.memref_slice %arg6[%dma_start3A_247, %dma_start3A_259, %dma_start3A_260, %dma_start3A_261] : memref<2x2x200x64xf32, #tpu.memory_space<vmem>> -> memref<1x2x200x64xf32, #tpu.memory_space<vmem>>
      %dma_start3A_263 = tpu.memref_squeeze %dma_start3A_262 : memref<1x2x200x64xf32, #tpu.memory_space<vmem>> -> memref<2x200x64xf32, #tpu.memory_space<vmem>>
      tpu.enqueue_dma source(%dma_start3A_263 : memref<2x200x64xf32, #tpu.memory_space<vmem>>) target(%dma_start3A_258 : memref<2x200x64xf32, #tpu.memory_space<hbm>>) target_semaphore(%arg10 : memref<!tpu.dma_semaphore, #tpu.memory_space<semaphore_mem>>)
    }
    %scan3A_64 = arith.constant 32 : i32
    %dma_wait3A = arith.constant 1 : i32
    %dma_wait3A_65 = arith.constant 0 : i32
    %dma_wait3A_66 = arith.constant 0 : i32
    %dma_wait3A_67 = arith.constant 0 : i32
    %dma_wait3A_68 = tpu.memref_slice %arg6[%dma_wait3A, %dma_wait3A_65, %dma_wait3A_66, %dma_wait3A_67] : memref<2x2x200x64xf32, #tpu.memory_space<vmem>> -> memref<1x2x200x64xf32, #tpu.memory_space<vmem>>
    %dma_wait3A_69 = tpu.memref_squeeze %dma_wait3A_68 : memref<1x2x200x64xf32, #tpu.memory_space<vmem>> -> memref<2x200x64xf32, #tpu.memory_space<vmem>>
    %dma_wait3A_70 = arith.constant 0 : i32
    %dma_wait3A_71 = arith.constant 0 : i32
    %dma_wait3A_72 = arith.constant 0 : i32
    %dma_wait3A_73 = tpu.memref_slice %arg4[%dma_wait3A_70, %dma_wait3A_71, %dma_wait3A_72] : memref<4096x200x128xf32, #tpu.memory_space<hbm>> -> memref<2x200x64xf32, #tpu.memory_space<hbm>>
    %dma_wait3A_74 = arith.constant 0 : i32
    %dma_wait3A_75 = arith.constant 0 : i32
    %dma_wait3A_76 = arith.constant 0 : i32
    %dma_wait3A_77 = tpu.memref_slice %arg4[%dma_wait3A_74, %dma_wait3A_75, %dma_wait3A_76] : memref<4096x200x128xf32, #tpu.memory_space<hbm>> -> memref<2x200x64xf32, #tpu.memory_space<hbm>>
    %dma_wait3A_78 = arith.constant 0 : i32
    %dma_wait3A_79 = arith.constant 0 : i32
    %dma_wait3A_80 = arith.constant 0 : i32
    %dma_wait3A_81 = tpu.memref_slice %arg6[%dma_wait3A, %dma_wait3A_78, %dma_wait3A_79, %dma_wait3A_80] : memref<2x2x200x64xf32, #tpu.memory_space<vmem>> -> memref<1x2x200x64xf32, #tpu.memory_space<vmem>>
    %dma_wait3A_82 = tpu.memref_squeeze %dma_wait3A_81 : memref<1x2x200x64xf32, #tpu.memory_space<vmem>> -> memref<2x200x64xf32, #tpu.memory_space<vmem>>
    tpu.wait_dma2 semaphore(%arg10 : memref<!tpu.dma_semaphore, #tpu.memory_space<semaphore_mem>>) src(%dma_wait3A_82 : memref<2x200x64xf32, #tpu.memory_space<vmem>>) dst(%dma_wait3A_77 : memref<2x200x64xf32, #tpu.memory_space<hbm>>)
    return
  }
}

</mosaic_0001>

<sc_bundles>
// kernel: kernel.3.cloned.1.call-start
scs
__scs_entry_jumppad:
0x0: {  	(pc) =	sbr.rel $0x88, $3  }
0x1: {  	(tag) =	ssettag $0x0;
	lr =	simm.s32 $0x1  }
0x2: {  	[smem:$0x3F9F] =	sst lr;
	_ =	strace $0xD0000000  }
0x3: {  	_ = 	snop  }
0x4: {  	_ = 	snop  }
0x5: {  	_ = 	snop  }
0x6: {  	_ = 	snop  }
0x7: {  	_ = 	snop  }
__scs_overlays_trampoline_lowered:
0x8: {  	[smem:$0x3FAE] =	sst s0  }
0x9: {  	[smem:$0x3FAF] =	sst s1  }
0xa: {  	[smem:$0x3FB0] =	sst s2  }
0xb: {  	[smem:$0x3FB1] =	sst s3  }
0xc: {  	[smem:$0x3FB2] =	sst s4  }
0xd: {  	[smem:$0x3FB3] =	sst s5  }
0xe: {  	[smem:$0x3FB4] =	sst s6  }
0xf: {  	[smem:$0x3FB5] =	sst s7  }
0x10: {  	[smem:$0x3FB6] =	sst s8  }
0x11: {  	[smem:$0x3FB7] =	sst s9;
	s0 =	simm.s32 @!p0 $0x0  }
0x12: {  	s1 =	sld [smem:$0x3F9D];
	s0 =	simm.s32 @p0 $0x1  }
0x13: {  	[smem:$0x3FB8] =	sst s0;
	s0 =	simm.s32 @!p1 $0x0  }
0x14: {  	s2 =	sld [smem:$0x3F9C];
	s0 =	simm.s32 @p1 $0x1  }
0x15: {  	[smem:$0x3FB9] =	sst s0;
	s0 =	simm.s32 @!p2 $0x0  }
0x16: {  	s3 =	sld [smem:$0x3FDB];
	s0 =	simm.s32 @p2 $0x1  }
0x17: {  	s4 =	simm.s32 $0x1BF5;
	[smem:$0x3FBB] =	sst s0  }
0x18: {  	s0 =	sld [smem:$0x3F9E];
	_ =	swait.ge [sflag:s4], $0x0  }
0x19: {  	s7 =	sld [smem:$0x3F9F]  }
0x1a: {  	s8 =	sadd.s32 $0xFFFFE003, lr  }
0x1b: {  	s9 =	sadd.s32 $0xFFFFFEF7, lr;
	s5 =	simm.s32 $0xFFFFFFFF;
	p2 =	slt.u32 s8, $0xFFFFF086  }
0x1c: {  	p1 =	slt.u32 s9, $0xF7A;
	s5 =	simm.s32 @!p2 $0x0  }
0x1d: {  	s5 =	simm.s32 @p1 $0x1;
	p0 =	seq.s32 s7, s2  }
0x1e: {  	s7 =	smul.u32 @!p0 $0xF7A, s2;
	p2 =	seq.s32 @!p0 s5, $0x0  }
0x1f: {  	s9 =	smul.u32 $0xF7A, s1;
	s8 =	simm.s32 @!p0 $0x1BF5;
	p2 =	por !p2, p0  }
0x20: {  	[sflag:s8] =	ssyncset.s32 @!p0 $0xFFFFF086;
	s6 =	sadd.s32 @!p0 s3, s7;
	s7 =	simm.s32 @!p0 $0x108  }
0x21: {  	s3 =	sadd.s32 s3, s9;
	s6 =	sadd.s32 @!p0 $0x88, s6;
	s7 =	simm.s32 @p2 $0x1082  }
0x22: {  	[simem:s7], [sflag:s8] =	dma.local @!p0 [hbm:s6], $0xF7A  }
0x23: {  	s9 =	sor.u32 $0xD0000000, s2;
	s6 =	simm.s32 $0x108;
	_ =	swait.ge @!p0 [sflag:s8], $0x0  }
0x24: {  	s3 =	sadd.s32 $0x88, s3;
	s6 =	simm.s32 @!p1 $0x1082;
	[sflag:s4] =	ssyncset.s32 $0xFFFFF086  }
0x25: {  	[simem:s6], [sflag:s4] =	dma.local [hbm:s3], $0xF7A  }
0x26: {  	[smem:$0x3F9F] =	sst s1;
	(tag) =	ssettag s2;
	_ =	strace s9  }
0x27: {  	s1 =	sld [smem:$0x3FAF]  }
0x28: {  	s2 =	sld [smem:$0x3FB0]  }
0x29: {  	s4 =	sld [smem:$0x3FB2]  }
0x2a: {  	p0 =	seq.s32 s5, $0x0;
	s5 =	sld [smem:$0x3FB3]  }
0x2b: {  	s6 =	sld [smem:$0x3FB4]  }
0x2c: {  	s7 =	sld [smem:$0x3FB5]  }
0x2d: {  	s3 =	simm.s32 $0x108;
	s8 =	sld [smem:$0x3FB6]  }
0x2e: {  	s3 =	simm.s32 @!p0 $0x1082;
	s9 =	sld [smem:$0x3FB7]  }
0x2f: {  	lr =	sadd.s32 s0, s3;
	s0 =	sld [smem:$0x3FAE]  }
0x30: {  	s3 =	sld [smem:$0x3FB1]  }
0x31: {  	[smem:$0x3FBA] =	sst s10  }
0x32: {  	s10 =	sld [smem:$0x3FB8];
	_ =	sdelay $0x3  }
0x33: {  	p0 =	seq.s32 s10, $0x1;
	s10 =	sld [smem:$0x3FBA];
	_ =	sdelay $0x3  }
0x34: {  	[smem:$0x3FBA] =	sst s10  }
0x35: {  	s10 =	sld [smem:$0x3FB9];
	_ =	sdelay $0x3  }
0x36: {  	p1 =	seq.s32 s10, $0x1;
	s10 =	sld [smem:$0x3FBA];
	_ =	sdelay $0x3  }
0x37: {  	[smem:$0x3FBA] =	sst s10  }
0x38: {  	s10 =	sld [smem:$0x3FBB]  }
0x39: {  	_ = 	snop;
	(pc) =	sbr.ind lr, $3  }
0x3a: {  	_ = 	snop  }
0x3b: {  	_ = 	snop  }
0x3c: {  	p2 =	seq.s32 s10, $0x1;
	s10 =	sld [smem:$0x3FBA]  }
0x3d: {  	_ =	shalt  }
0x3e: {  	_ =	shalt  }
0x3f: {  	_ =	shalt  }
0x40: {  	_ =	shalt  }
0x41: {  	_ =	shalt  }
0x42: {  	_ =	shalt  }
0x43: {  	_ =	shalt  }
0x44: {  	_ =	shalt  }
0x45: {  	_ =	shalt  }
0x46: {  	_ =	shalt  }
0x47: {  	_ =	shalt  }
0x48: {  	_ =	shalt  }
0x49: {  	_ =	shalt  }
0x4a: {  	_ =	shalt  }
0x4b: {  	_ =	shalt  }
0x4c: {  	_ =	shalt  }
0x4d: {  	_ =	shalt  }
0x4e: {  	_ =	shalt  }
0x4f: {  	_ =	shalt  }
0x50: {  	_ =	shalt  }
0x51: {  	_ =	shalt  }
0x52: {  	_ =	shalt  }
0x53: {  	_ =	shalt  }
0x54: {  	_ =	shalt  }
0x55: {  	_ =	shalt  }
0x56: {  	_ =	shalt  }
0x57: {  	_ =	shalt  }
0x58: {  	_ =	shalt  }
0x59: {  	_ =	shalt  }
0x5a: {  	_ =	shalt  }
0x5b: {  	_ =	shalt  }
0x5c: {  	_ =	shalt  }
0x5d: {  	_ =	shalt  }
0x5e: {  	_ =	shalt  }
0x5f: {  	_ =	shalt  }
0x60: {  	_ =	shalt  }
0x61: {  	_ =	shalt  }
0x62: {  	_ =	shalt  }
0x63: {  	_ =	shalt  }
0x64: {  	_ =	shalt  }
0x65: {  	_ =	shalt  }
0x66: {  	_ =	shalt  }
0x67: {  	_ =	shalt  }
0x68: {  	_ =	shalt  }
0x69: {  	_ =	shalt  }
0x6a: {  	_ =	shalt  }
0x6b: {  	_ =	shalt  }
0x6c: {  	_ =	shalt  }
0x6d: {  	_ =	shalt  }
0x6e: {  	_ =	shalt  }
0x6f: {  	_ =	shalt  }
0x70: {  	_ =	shalt  }
0x71: {  	_ =	shalt  }
0x72: {  	_ =	shalt  }
0x73: {  	_ =	shalt  }
0x74: {  	_ =	shalt  }
0x75: {  	_ =	shalt  }
0x76: {  	_ =	shalt  }
0x77: {  	_ =	shalt  }
0x78: {  	_ =	shalt  }
0x79: {  	_ =	shalt  }
0x7a: {  	_ =	shalt  }
0x7b: {  	_ =	shalt  }
0x7c: {  	_ =	shalt  }
0x7d: {  	_ =	shalt  }
0x7e: {  	_ =	shalt  }
0x7f: {  	_ =	shalt  }
0x80: {  	_ =	shalt  }
0x81: {  	_ =	shalt  }
0x82: {  	_ =	shalt  }
0x83: {  	_ =	shalt  }
0x84: {  	_ =	shalt  }
0x85: {  	_ =	shalt  }
0x86: {  	_ =	shalt  }
0x87: {  	_ =	shalt  }
.Lfunc_end0:
.L_simem_size_0:
called_computation.1_lowered:
.L_overlay_start_0:
0x88: {  	s2 =	sld [smem:$0x3FD9]  }
0x89: {  	s3 =	sld [smem:$0x3FFE];
	_ =	sdelay $0x1  }
0x8a: {  	s1 =	srdreg.scid  }
0x8b: {  	s0 =	sand.u32 $0x1, s1  }
0x8c: {  	s17 =	sshll.u32 s0, $0xA;
	s2 =	sadd.s32 s3, s2  }
0x8d: {  	s2 =	sadd.s32 s2, s17  }
0x8e: {  	[smem:$0x3FC6] =	sst s2  }
0x8f: {  	_ = 	snop  }
0x90: {  	s2 =	sld [smem:$0x3FD0];
	(tm) =	ssettm $0x1  }
0x91: {  	s18 =	sld [smem:$0x3FFB];
	_ =	sdelay $0x3  }
0x92: {  	_ =	strace s18  }
0x93: {  	s3 =	sld [smem:$0x3FFC];
	_ =	sdelay $0x3  }
0x94: {  	_ =	strace s3  }
0x95: {  	s3 =	sld [smem:$0x3FFD];
	_ =	sdelay $0x3  }
0x96: {  	_ =	strace s3  }
0x97: {  	_ =	strace $0x8FFFFFFF  }
0x98: {  	s19 =	sld [smem:$0x3FDB];
	_ =	sdelay $0x1  }
0x99: {  	s4 =	simm.s32 $_scs_section_size  }
0x9a: {  	s5 =	simm.s32 $_size__tile_overlayer_lowered;
	s6 =	simm.s32 $_tile_overlayer_lowered  }
0x9b: {  	s22 =	simm.s32 $0x1BFF;
	s21 =	sshll.u32 s6, $0x1;
	s3 =	sadd.s32 s4, s19  }
0x9c: {  	s7 =	simm.s32 $0x0;
	s20 =	sshll.u32 s5, $0x1;
	s5 =	sadd.s32 s21, s3  }
0x9d: {  	[timem:s7], [sflag:s22] =	dma.local [hbm:s5], s20  }
0x9e: {  	_ =	swait.ge [sflag:s22], s20  }
0x9f: {  	s4 =	ssub.s32 $0x0, s20;
	[sflag:s22] =	ssyncset.done $0x0  }
0xa0: {  	[sflag:s22] =	ssyncadd.s32 s4;
	_ =	sdelay $0x1  }
0xa1: {  	s23 =	simm.s32 $0x1B8B  }
0xa2: {  	_ =	swait.ge [sflag:s23], $0x1  }
0xa3: {  	[sflag:s23] =	ssyncset.done $0x0  }
0xa4: {  	s25 =	simm.s32 $0x1B8E;
	s24 =	sld [smem:$0x3FFE];
	[sflag:s23] =	ssyncadd.s32 $0xFFFFFFFF  }
0xa5: {  	s26 =	simm.s32 $execute0_lowered;
	[smem:$0x3FD2] =	sst s25  }
0xa6: {  	s5 =	sshll.u32 s26, $0x1;
	_ =	strace $0x80000046;
	[dreg:$0x1] =	wrdreg $0xFFFFFFFF  }
0xa7: {  	s28 =	simm.s32 $_size_execute0_lowered;
	s3 =	sadd.s32 s3, s5;
	[dreg:$0x0] =	wrdreg $0x0  }
0xa8: {  	s5 =	sshll.u32 s28, $0x1;
	[dreg:$0x2] =	wrdreg s3  }
0xa9: {  	[dreg:$0x3] =	wrdreg s5  }
0xaa: {  	[dreg:$0x4] =	wrdreg $0xC0  }
0xab: {  	_ =	task [dreg:s7], $0x5FFFF  }
0xac: {  	[dreg:$0x1] =	wrdreg $0xFFFFFFFF  }
0xad: {  	[dreg:$0x0] =	wrdreg $0x60  }
0xae: {  	[dreg:$0x2] =	wrdreg s2  }
0xaf: {  	[dreg:$0x3] =	wrdreg s24  }
0xb0: {  	[dreg:$0x4] =	wrdreg $0x9  }
0xb1: {  	_ =	task.clear_ibuf [dreg:s7], $0x5FFFF;
	_ =	strace $0x90000046  }
0xb2: {  	s29 =	simm.s32 $0x9;
	_ =	strace $0x80000048  }
0xb3: {  	_ =	swait.ge [sflag:s29], $0x1  }
0xb4: {  	[sflag:s29] =	ssyncadd.s32 $0xFFFFFFFF  }
0xb5: {  	_ =	strace $0x90000048  }
0xb6: {  	_ =	sfence  }
0xb7: {  	s30 =	sld [smem:$0x0];
	_ =	sdelay $0x2  }
0xb8: {  	s31 =	sshll.u32 s1, $0xD;
	s1 =	sshrl.u32 s1, $0x2  }
0xb9: {  	s3 =	sand.u32 $0x4000, s31;
	s1 =	sadd.s32 s1, s30  }
0xba: {  	s0 =	sor.u32 s3, s0;
	s1 =	sshll.u32 s1, $0x11  }
0xbb: {  	s0 =	sor.u32 s1, s0  }
0xbc: {  	s0 =	sadd.s32 $0x8F2B, s0  }
0xbd: {  	[sflag:s0] =	ssyncadd.remote.s32 $0x1  }
0xbe: {  	_ =	sfence.sel $0xFFFF  }
0xbf: {  	[dreg:$0x0] =	wrdreg $0xFFFFFFFF;
	(pc) =	sbr.abs _section_cstart, $3  }
0xc0: {  	[dreg:$0x1] =	wrdreg $0xFFFFFFFF  }
0xc1: {  	_ =	task.clear_ibuf [dreg:s7], $0x2FFFF;
	_ =	strace $0x9FFFFFFF  }
0xc2: {  	(tm) =	ssettm $0x7FFFFFFF  }
0xc3: {  	_ =	shalt  }
tec
execute0_lowered:
.L_overlay_start_1:
0x0: {  	(tag) =	ssettag $0x1  }
0x1: {  	s2 =	rddreg [dreg:$0x0]  }
0x2: {  	s0 =	rddreg [dreg:$0x1]  }
0x3: {  	s1 =	srdreg.scid;
	s4 =	stileid.u32  }
0x4: {  	s3 =	simm.s32 $0x0;
	s11 =	simm.s32 $0x5;
	s12 =	simm.s32 $0x80  }
0x5: {  	s13 =	simm.s32 $0x320;
	s14 =	simm.s32 $0x48;
	s20 =	simm.s32 $0x1  }
0x6: {  	s21 =	simm.s32 $0x190;
	s22 =	simm.s32 $0x210;
	s23 =	simm.s32 $0x8720  }
0x7: {  	s24 =	simm.s32 $0x258;
	s28 =	simm.s32 $0xB920;
	s29 =	simm.s32 $0x40  }
0x8: {  	s30 =	simm.s32 $0x2;
	s31 =	simm.s32 $0x3;
	s15 =	simm.s32 $0x0  }
0x9: {  	s1 =	sand.u32 $0x1, s1;
	s4 =	sshll.u32 s4, $0x8;
	[smem:$0x7FF] =	sst s3  }
0xa: {  	s6 =	sadd.s32 $0xA00, s0;
	s5 =	sshll.u32 s1, $0x7;
	s1 =	ssub.s32 $0x2, s1  }
0xb: {  	_ =	strace $0x80000047;
	s4 =	sor.u32 s5, s4;
	s7 =	sshrl.u32 s1, $0x1  }
0xc: {  	s5 =	sadd.s32 $0xF42E00, s0;
	s8 =	smul.u32 $0x19, s4;
	s25 =	ssub.s32 s1, s7  }
0xd: {  	s10 =	sor.u32 $0x2, s4;
	s0 =	smax.u32 s25, $0x1;
	s25 =	simm.s32 $0x9920  }
0xe: {  	s26 =	sadd.s32 s2, s8;
	s8 =	sor.u32 $0x4, s4;
	[dreg:$0x4] =	wrdreg s0  }
0xf: {  	s0 =	simm.s32 $0x6720;
	[dreg:$0x3] =	wrdreg s26;
	s26 =	simm.s32 $0x2D8  }
.LBB2_1:
0x10: {  	s1 =	rddreg [dreg:$0x3]  }
0x11: {  	[tilespmem:s3], [sflag:$0x5] =	stream.linear.gather [hbm4b:s1+s3], $0x190, $0x38;
	[tilespmem:$0xCB20] =	vst v63  }
0x12: {  	_ =	swait.ge [sflag:s11], $0x190  }
0x13: {  	[sflag:s11] =	ssyncset.done $0x0  }
0x14: {  	[sflag:s11] =	ssyncadd.s32 $0xFFFFFE70  }
0x15: {  	[tilespmem:s13], [sflag:$0x1] =	stream.indirect.gather [hbm4b:s5+s12], $0x40, s3, s12, $0xb8;
	[tilespmem:$0xCB20] =	vst v63  }
0x16: {  	s16 =	simm.s32 $0x2320  }
0x17: {  	[tilespmem:s16], [sflag:$0x1] =	stream.indirect.gather [hbm4b:s5+s14], $0x40, s12, s14, $0xb8;
	[tilespmem:$0xCB20] =	vst v63  }
0x18: {  	s17 =	simm.s32 $0xC8;
	s7 =	simm.s32 $0x3520  }
0x19: {  	[tilespmem:s7], [sflag:$0x1] =	stream.indirect.gather [hbm4b:s5+s12], $0x40, s17, s12, $0xb8;
	[tilespmem:$0xCB20] =	vst v63  }
0x1a: {  	s18 =	simm.s32 $0x148;
	s19 =	simm.s32 $0x5520;
	s16 =	simm.s32 $0x0  }
0x1b: {  	[tilespmem:s19], [sflag:$0x1] =	stream.indirect.gather [hbm4b:s5+s14], $0x40, s18, s14, $0xb8;
	[tilespmem:$0xCB20] =	vst v63  }
.LBB2_2:
0x1c: {  	_ =	swait.ge [sflag:s20], $0x6400  }
0x1d: {  	[sflag:s20] =	ssyncset.done $0x0  }
0x1e: {  	s7 =	simm.s32 $0x420;
	[sflag:s20] =	ssyncadd.s32 $0xFFFF9C00  }
0x1f: {  	v0 =	vld [tilespmem:s7+$0xF0]  }
0x20: {  	v1 =	vld [tilespmem:s7+$0xFFFFFF10]  }
0x21: {  	v2 =	vld [tilespmem:s7+$0xFFFFFF20]  }
0x22: {  	v3 =	vld [tilespmem:s7+$0xFFFFFF30]  }
0x23: {  	v4 =	vld [tilespmem:s7+$0xFFFFFF40]  }
0x24: {  	v5 =	vld [tilespmem:s7+$0xFFFFFF50];
	v0 =	vmul.f32 $8.000000000e+00, v0  }
0x25: {  	v6 =	vld [tilespmem:s7+$0xFFFFFF60];
	v1 =	vmul.f32 $8.000000000e+00, v1  }
0x26: {  	v7 =	vld [tilespmem:s7+$0xFFFFFF70];
	v2 =	vmul.f32 $8.000000000e+00, v2;
	[tilespmem:s7+$0xF0] =	vst v0  }
0x27: {  	[tilespmem:s7+$0xFFFFFF10] =	vst v1;
	v0 =	vmul.f32 $8.000000000e+00, v3;
	v1 =	vld [tilespmem:s7+$0xFFFFFF80]  }
0x28: {  	[tilespmem:s7+$0xFFFFFF20] =	vst v2;
	v2 =	vmul.f32 $8.000000000e+00, v4;
	v3 =	vld [tilespmem:s7+$0xFFFFFF90]  }
0x29: {  	v4 =	vld [tilespmem:s7+$0xFFFFFFA0];
	[tilespmem:s7+$0xFFFFFF30] =	vst v0;
	v0 =	vmul.f32 $8.000000000e+00, v5  }
0x2a: {  	[tilespmem:s7+$0xFFFFFF40] =	vst v2;
	v2 =	vmul.f32 $8.000000000e+00, v6;
	v5 =	vld [tilespmem:s7+$0xFFFFFFB0]  }
0x2b: {  	v6 =	vld [tilespmem:s7+$0xFFFFFFC0];
	[tilespmem:s7+$0xFFFFFF50] =	vst v0;
	v0 =	vmul.f32 $8.000000000e+00, v7  }
0x2c: {  	[tilespmem:s7+$0xFFFFFF60] =	vst v2;
	v2 =	vld [tilespmem:s7+$0xFFFFFFD0];
	v1 =	vmul.f32 $8.000000000e+00, v1  }
0x2d: {  	[tilespmem:s7+$0xFFFFFF70] =	vst v0;
	v0 =	vmul.f32 $8.000000000e+00, v3;
	v3 =	vld [tilespmem:s7+$0xFFFFFFE0]  }
0x2e: {  	[tilespmem:s7+$0xFFFFFF80] =	vst v1;
	v1 =	vmul.f32 $8.000000000e+00, v4;
	v4 =	vld [tilespmem:s7+$0xFFFFFFF0]  }
0x2f: {  	[tilespmem:s7+$0xFFFFFF90] =	vst v0;
	v0 =	vmul.f32 $8.000000000e+00, v5;
	v5 =	vld [tilespmem:s7+$0x0]  }
0x30: {  	[tilespmem:s7+$0xFFFFFFA0] =	vst v1;
	v1 =	vmul.f32 $8.000000000e+00, v6;
	v6 =	vld [tilespmem:s7+$0x10]  }
0x31: {  	[tilespmem:s7+$0xFFFFFFB0] =	vst v0;
	v0 =	vmul.f32 $8.000000000e+00, v2;
	v2 =	vld [tilespmem:s7+$0x20]  }
0x32: {  	[tilespmem:s7+$0xFFFFFFC0] =	vst v1;
	v1 =	vmul.f32 $8.000000000e+00, v3;
	v3 =	vld [tilespmem:s7+$0x30]  }
0x33: {  	[tilespmem:s7+$0xFFFFFFD0] =	vst v0;
	v0 =	vmul.f32 $8.000000000e+00, v4;
	v4 =	vld [tilespmem:s7+$0x40]  }
0x34: {  	[tilespmem:s7+$0xFFFFFFE0] =	vst v1;
	v1 =	vmul.f32 $8.000000000e+00, v5;
	v5 =	vld [tilespmem:s7+$0x50]  }
0x35: {  	[tilespmem:s7+$0xFFFFFFF0] =	vst v0;
	v0 =	vmul.f32 $8.000000000e+00, v6;
	v6 =	vld [tilespmem:s7+$0x60]  }
0x36: {  	[tilespmem:s7+$0x0] =	vst v1;
	v1 =	vmul.f32 $8.000000000e+00, v2;
	v2 =	vld [tilespmem:s7+$0x70]  }
0x37: {  	[tilespmem:s7+$0x10] =	vst v0;
	v0 =	vmul.f32 $8.000000000e+00, v3;
	v3 =	vld [tilespmem:s7+$0x80]  }
0x38: {  	[tilespmem:s7+$0x20] =	vst v1;
	v1 =	vmul.f32 $8.000000000e+00, v4;
	v4 =	vld [tilespmem:s7+$0x90]  }
0x39: {  	v7 =	vld [tilespmem:s7+$0xA0];
	[tilespmem:s7+$0x30] =	vst v0;
	v5 =	vmul.f32 $8.000000000e+00, v5  }
0x3a: {  	v0 =	vld [tilespmem:s7+$0xB0];
	[tilespmem:s7+$0x40] =	vst v1;
	v6 =	vmul.f32 $8.000000000e+00, v6  }
0x3b: {  	v1 =	vld [tilespmem:s7+$0xC0];
	[tilespmem:s7+$0x50] =	vst v5;
	v5 =	vmul.f32 $8.000000000e+00, v2  }
0x3c: {  	v2 =	vld [tilespmem:s7+$0xD0];
	[tilespmem:s7+$0x60] =	vst v6;
	v6 =	vmul.f32 $8.000000000e+00, v3  }
0x3d: {  	v3 =	vld [tilespmem:s7+$0xE0];
	[tilespmem:s7+$0x70] =	vst v5;
	v5 =	vmul.f32 $8.000000000e+00, v4  }
0x3e: {  	s18 =	simm.s32 $0x0;
	s17 =	simm.s32 $0x3710;
	s1 =	simm.s32 $0x620;
	v4 =	vld [tilespmem:s7+$0xFFFFFF00];
	[tilespmem:s7+$0x80] =	vst v6;
	v6 =	vmul.f32 $8.000000000e+00, v7  }
.LBB2_3:
0x3f: {  	v7 =	vld [tilespmem:s1+$0xF0];
	s18 =	sadd.s32 $0x8, s18;
	[tilespmem:s7+$0x90] =	vst v5;
	v0 =	vmul.f32 $8.000000000e+00, v0  }
0x40: {  	v5 =	vld [tilespmem:s1+$0xFFFFFF10];
	p0 =	slt.u32 s18, $0xC0;
	[tilespmem:s7+$0xA0] =	vst v6;
	v1 =	vmul.f32 $8.000000000e+00, v1  }
0x41: {  	v6 =	vld [tilespmem:s1+$0xFFFFFF20];
	[tilespmem:s7+$0xB0] =	vst v0;
	v0 =	vmul.f32 $8.000000000e+00, v2  }
0x42: {  	v2 =	vld [tilespmem:s1+$0xFFFFFF30];
	[tilespmem:s7+$0xC0] =	vst v1;
	v1 =	vmul.f32 $8.000000000e+00, v3  }
0x43: {  	v3 =	vld [tilespmem:s1+$0xFFFFFF40];
	v4 =	vmul.f32 $8.000000000e+00, v4;
	[tilespmem:s7+$0xD0] =	vst v0  }
0x44: {  	v0 =	vld [tilespmem:s1+$0xFFFFFF50];
	v7 =	vmul.f32 $8.000000000e+00, v7;
	[tilespmem:s7+$0xE0] =	vst v1  }
0x45: {  	v1 =	vmul.f32 $8.000000000e+00, v5;
	v5 =	vld [tilespmem:s1+$0xFFFFFF60];
	[tilespmem:s7+$0xFFFFFF00] =	vst v4;
	s7 =	smov.u32 s1  }
0x46: {  	v4 =	vmul.f32 $8.000000000e+00, v6;
	v6 =	vld [tilespmem:s1+$0xFFFFFF70];
	[tilespmem:s1+$0xF0] =	vst v7  }
0x47: {  	[tilespmem:s1+$0xFFFFFF10] =	vst v1;
	v1 =	vmul.f32 $8.000000000e+00, v2;
	v2 =	vld [tilespmem:s1+$0xFFFFFF80]  }
0x48: {  	[tilespmem:s1+$0xFFFFFF20] =	vst v4;
	v3 =	vmul.f32 $8.000000000e+00, v3;
	v4 =	vld [tilespmem:s1+$0xFFFFFF90]  }
0x49: {  	[tilespmem:s1+$0xFFFFFF30] =	vst v1;
	v0 =	vmul.f32 $8.000000000e+00, v0;
	v1 =	vld [tilespmem:s1+$0xFFFFFFA0]  }
0x4a: {  	[tilespmem:s1+$0xFFFFFF40] =	vst v3;
	v3 =	vmul.f32 $8.000000000e+00, v5;
	v5 =	vld [tilespmem:s1+$0xFFFFFFB0]  }
0x4b: {  	[tilespmem:s1+$0xFFFFFF50] =	vst v0;
	v0 =	vmul.f32 $8.000000000e+00, v6;
	v6 =	vld [tilespmem:s1+$0xFFFFFFC0]  }
0x4c: {  	[tilespmem:s1+$0xFFFFFF60] =	vst v3;
	v2 =	vmul.f32 $8.000000000e+00, v2;
	v3 =	vld [tilespmem:s1+$0xFFFFFFD0]  }
0x4d: {  	[tilespmem:s1+$0xFFFFFF70] =	vst v0;
	v0 =	vmul.f32 $8.000000000e+00, v4;
	v4 =	vld [tilespmem:s1+$0xFFFFFFE0]  }
0x4e: {  	[tilespmem:s1+$0xFFFFFF80] =	vst v2;
	v1 =	vmul.f32 $8.000000000e+00, v1;
	v2 =	vld [tilespmem:s1+$0xFFFFFFF0]  }
0x4f: {  	[tilespmem:s1+$0xFFFFFF90] =	vst v0;
	v0 =	vmul.f32 $8.000000000e+00, v5;
	v5 =	vld [tilespmem:s1+$0x0]  }
0x50: {  	[tilespmem:s1+$0xFFFFFFA0] =	vst v1;
	v1 =	vmul.f32 $8.000000000e+00, v6;
	v6 =	vld [tilespmem:s1+$0x10]  }
0x51: {  	[tilespmem:s1+$0xFFFFFFB0] =	vst v0;
	v0 =	vmul.f32 $8.000000000e+00, v3;
	v3 =	vld [tilespmem:s1+$0x20]  }
0x52: {  	[tilespmem:s1+$0xFFFFFFC0] =	vst v1;
	v1 =	vmul.f32 $8.000000000e+00, v4;
	v4 =	vld [tilespmem:s1+$0x30]  }
0x53: {  	[tilespmem:s1+$0xFFFFFFD0] =	vst v0;
	v0 =	vmul.f32 $8.000000000e+00, v2;
	v2 =	vld [tilespmem:s1+$0x40]  }
0x54: {  	[tilespmem:s1+$0xFFFFFFE0] =	vst v1;
	v1 =	vmul.f32 $8.000000000e+00, v5;
	v5 =	vld [tilespmem:s1+$0x50]  }
0x55: {  	[tilespmem:s1+$0xFFFFFFF0] =	vst v0;
	v0 =	vmul.f32 $8.000000000e+00, v6;
	v6 =	vld [tilespmem:s1+$0x60]  }
0x56: {  	[tilespmem:s1+$0x0] =	vst v1;
	v1 =	vmul.f32 $8.000000000e+00, v3;
	v3 =	vld [tilespmem:s1+$0x70]  }
0x57: {  	[tilespmem:s1+$0x10] =	vst v0;
	v0 =	vmul.f32 $8.000000000e+00, v4;
	v4 =	vld [tilespmem:s1+$0x80]  }
0x58: {  	[tilespmem:s1+$0x20] =	vst v1;
	v1 =	vmul.f32 $8.000000000e+00, v2;
	v7 =	vld [tilespmem:s1+$0x90]  }
0x59: {  	[tilespmem:s1+$0x30] =	vst v0;
	v2 =	vmul.f32 $8.000000000e+00, v5;
	v8 =	vld [tilespmem:s1+$0xA0]  }
.Ltmp0:
0x5a: {  	[tilespmem:s1+$0x40] =	vst v1;
	v5 =	vmul.f32 $8.000000000e+00, v6;
	v0 =	vld [tilespmem:s1+$0xB0];
	(pc) =	sbr.rel @p0 .LBB2_3-.Ltmp0, $4  }
0x5b: {  	[tilespmem:s1+$0x50] =	vst v2;
	v3 =	vmul.f32 $8.000000000e+00, v3;
	v1 =	vld [tilespmem:s1+$0xC0]  }
0x5c: {  	[tilespmem:s1+$0x60] =	vst v5;
	v6 =	vmul.f32 $8.000000000e+00, v4;
	v2 =	vld [tilespmem:s1+$0xD0]  }
0x5d: {  	[tilespmem:s1+$0x70] =	vst v3;
	v5 =	vmul.f32 $8.000000000e+00, v7;
	v3 =	vld [tilespmem:s1+$0xE0]  }
0x5e: {  	s1 =	sadd.s32 $0x200, s1;
	v4 =	vld [tilespmem:s7+$0xFFFFFF00];
	[tilespmem:s7+$0x80] =	vst v6;
	v6 =	vmul.f32 $8.000000000e+00, v8  }
0x5f: {  	[tilespmem:s7+$0x90] =	vst v5;
	v0 =	vmul.f32 $8.000000000e+00, v0  }
0x60: {  	[tilespmem:s7+$0xA0] =	vst v6;
	v1 =	vmul.f32 $8.000000000e+00, v1  }
0x61: {  	[tilespmem:s7+$0xB0] =	vst v0;
	v0 =	vmul.f32 $8.000000000e+00, v2  }
0x62: {  	[tilespmem:s7+$0xC0] =	vst v1;
	v1 =	vmul.f32 $8.000000000e+00, v3  }
0x63: {  	v2 =	vmul.f32 $8.000000000e+00, v4;
	[tilespmem:s7+$0xD0] =	vst v0  }
0x64: {  	[tilespmem:s7+$0xE0] =	vst v1  }
0x65: {  	[tilespmem:s7+$0xFFFFFF00] =	vst v2  }
0x66: {  	v0 =	vld [tilespmem:s17+$0x0]  }
0x67: {  	v1 =	vld [tilespmem:s17+$0xFFFFFE20]  }
0x68: {  	v2 =	vld [tilespmem:s17+$0xFFFFFE30]  }
0x69: {  	v3 =	vld [tilespmem:s17+$0xFFFFFE40]  }
0x6a: {  	v4 =	vld [tilespmem:s17+$0xFFFFFE50]  }
0x6b: {  	v5 =	vld [tilespmem:s17+$0xFFFFFE60];
	v0 =	vmul.f32 $8.000000000e+00, v0  }
0x6c: {  	v6 =	vld [tilespmem:s17+$0xFFFFFE70];
	v1 =	vmul.f32 $8.000000000e+00, v1  }
0x6d: {  	v7 =	vld [tilespmem:s17+$0xFFFFFE80];
	v2 =	vmul.f32 $8.000000000e+00, v2;
	[tilespmem:s17+$0x0] =	vst v0  }
0x6e: {  	[tilespmem:s17+$0xFFFFFE20] =	vst v1;
	v0 =	vmul.f32 $8.000000000e+00, v3;
	v1 =	vld [tilespmem:s17+$0xFFFFFE90]  }
0x6f: {  	[tilespmem:s17+$0xFFFFFE30] =	vst v2;
	v2 =	vmul.f32 $8.000000000e+00, v4;
	v3 =	vld [tilespmem:s17+$0xFFFFFEA0]  }
0x70: {  	v4 =	vld [tilespmem:s17+$0xFFFFFEB0];
	[tilespmem:s17+$0xFFFFFE40] =	vst v0;
	v0 =	vmul.f32 $8.000000000e+00, v5  }
0x71: {  	[tilespmem:s17+$0xFFFFFE50] =	vst v2;
	v2 =	vmul.f32 $8.000000000e+00, v6;
	v5 =	vld [tilespmem:s17+$0xFFFFFEC0]  }
0x72: {  	v6 =	vld [tilespmem:s17+$0xFFFFFED0];
	[tilespmem:s17+$0xFFFFFE60] =	vst v0;
	v0 =	vmul.f32 $8.000000000e+00, v7  }
0x73: {  	[tilespmem:s17+$0xFFFFFE70] =	vst v2;
	v2 =	vld [tilespmem:s17+$0xFFFFFEE0];
	v1 =	vmul.f32 $8.000000000e+00, v1  }
0x74: {  	[tilespmem:s17+$0xFFFFFE80] =	vst v0;
	v0 =	vmul.f32 $8.000000000e+00, v3;
	v3 =	vld [tilespmem:s17+$0xFFFFFEF0]  }
0x75: {  	[tilespmem:s17+$0xFFFFFE90] =	vst v1;
	v1 =	vmul.f32 $8.000000000e+00, v4;
	v4 =	vld [tilespmem:s17+$0xFFFFFF00]  }
0x76: {  	[tilespmem:s17+$0xFFFFFEA0] =	vst v0;
	v0 =	vmul.f32 $8.000000000e+00, v5;
	v5 =	vld [tilespmem:s17+$0xFFFFFF10]  }
0x77: {  	[tilespmem:s17+$0xFFFFFEB0] =	vst v1;
	v1 =	vmul.f32 $8.000000000e+00, v6;
	v6 =	vld [tilespmem:s17+$0xFFFFFF20]  }
0x78: {  	[tilespmem:s17+$0xFFFFFEC0] =	vst v0;
	v0 =	vmul.f32 $8.000000000e+00, v2;
	v2 =	vld [tilespmem:s17+$0xFFFFFF30]  }
0x79: {  	[tilespmem:s17+$0xFFFFFED0] =	vst v1;
	v1 =	vmul.f32 $8.000000000e+00, v3;
	v3 =	vld [tilespmem:s17+$0xFFFFFF40]  }
0x7a: {  	[tilespmem:s17+$0xFFFFFEE0] =	vst v0;
	v0 =	vmul.f32 $8.000000000e+00, v4;
	v4 =	vld [tilespmem:s17+$0xFFFFFF50]  }
0x7b: {  	[tilespmem:s17+$0xFFFFFEF0] =	vst v1;
	v1 =	vmul.f32 $8.000000000e+00, v5;
	v5 =	vld [tilespmem:s17+$0xFFFFFF60]  }
0x7c: {  	[tilespmem:s17+$0xFFFFFF00] =	vst v0;
	v0 =	vmul.f32 $8.000000000e+00, v6;
	v6 =	vld [tilespmem:s17+$0xFFFFFF70]  }
0x7d: {  	[tilespmem:s17+$0xFFFFFF10] =	vst v1;
	v1 =	vmul.f32 $8.000000000e+00, v2;
	v2 =	vld [tilespmem:s17+$0xFFFFFF80]  }
0x7e: {  	[tilespmem:s17+$0xFFFFFF20] =	vst v0;
	v0 =	vmul.f32 $8.000000000e+00, v3;
	v3 =	vld [tilespmem:s17+$0xFFFFFF90]  }
0x7f: {  	[tilespmem:s17+$0xFFFFFF30] =	vst v1;
	v1 =	vmul.f32 $8.000000000e+00, v4;
	v4 =	vld [tilespmem:s17+$0xFFFFFFA0]  }
0x80: {  	v7 =	vld [tilespmem:s17+$0xFFFFFFB0];
	[tilespmem:s17+$0xFFFFFF40] =	vst v0;
	v5 =	vmul.f32 $8.000000000e+00, v5  }
0x81: {  	v0 =	vld [tilespmem:s17+$0xFFFFFFC0];
	[tilespmem:s17+$0xFFFFFF50] =	vst v1;
	v6 =	vmul.f32 $8.000000000e+00, v6  }
0x82: {  	v1 =	vld [tilespmem:s17+$0xFFFFFFD0];
	[tilespmem:s17+$0xFFFFFF60] =	vst v5;
	v5 =	vmul.f32 $8.000000000e+00, v2  }
0x83: {  	v2 =	vld [tilespmem:s17+$0xFFFFFFE0];
	[tilespmem:s17+$0xFFFFFF70] =	vst v6;
	v6 =	vmul.f32 $8.000000000e+00, v3  }
0x84: {  	v3 =	vld [tilespmem:s17+$0xFFFFFFF0];
	[tilespmem:s17+$0xFFFFFF80] =	vst v5;
	v5 =	vmul.f32 $8.000000000e+00, v4  }
0x85: {  	s1 =	simm.s32 $0x3910;
	s7 =	simm.s32 $0x0;
	v4 =	vld [tilespmem:s17+$0xFFFFFE10];
	[tilespmem:s17+$0xFFFFFF90] =	vst v6;
	v6 =	vmul.f32 $8.000000000e+00, v7  }
.LBB2_5:
0x86: {  	v7 =	vld [tilespmem:s1+$0x0];
	s7 =	sadd.s32 $0x8, s7;
	[tilespmem:s17+$0xFFFFFFA0] =	vst v5;
	v0 =	vmul.f32 $8.000000000e+00, v0  }
0x87: {  	v5 =	vld [tilespmem:s1+$0xFFFFFE20];
	p0 =	slt.u32 s7, $0xC0;
	[tilespmem:s17+$0xFFFFFFB0] =	vst v6;
	v1 =	vmul.f32 $8.000000000e+00, v1  }
0x88: {  	v6 =	vld [tilespmem:s1+$0xFFFFFE30];
	[tilespmem:s17+$0xFFFFFFC0] =	vst v0;
	v0 =	vmul.f32 $8.000000000e+00, v2  }
0x89: {  	v2 =	vld [tilespmem:s1+$0xFFFFFE40];
	[tilespmem:s17+$0xFFFFFFD0] =	vst v1;
	v1 =	vmul.f32 $8.000000000e+00, v3  }
0x8a: {  	v3 =	vld [tilespmem:s1+$0xFFFFFE50];
	v4 =	vmul.f32 $8.000000000e+00, v4;
	[tilespmem:s17+$0xFFFFFFE0] =	vst v0  }
0x8b: {  	v0 =	vld [tilespmem:s1+$0xFFFFFE60];
	v7 =	vmul.f32 $8.000000000e+00, v7;
	[tilespmem:s17+$0xFFFFFFF0] =	vst v1  }
0x8c: {  	v1 =	vmul.f32 $8.000000000e+00, v5;
	v5 =	vld [tilespmem:s1+$0xFFFFFE70];
	[tilespmem:s17+$0xFFFFFE10] =	vst v4;
	s17 =	smov.u32 s1  }
0x8d: {  	v4 =	vmul.f32 $8.000000000e+00, v6;
	v6 =	vld [tilespmem:s1+$0xFFFFFE80];
	[tilespmem:s1+$0x0] =	vst v7  }
0x8e: {  	[tilespmem:s1+$0xFFFFFE20] =	vst v1;
	v1 =	vmul.f32 $8.000000000e+00, v2;
	v2 =	vld [tilespmem:s1+$0xFFFFFE90]  }
0x8f: {  	[tilespmem:s1+$0xFFFFFE30] =	vst v4;
	v3 =	vmul.f32 $8.000000000e+00, v3;
	v4 =	vld [tilespmem:s1+$0xFFFFFEA0]  }
0x90: {  	[tilespmem:s1+$0xFFFFFE40] =	vst v1;
	v0 =	vmul.f32 $8.000000000e+00, v0;
	v1 =	vld [tilespmem:s1+$0xFFFFFEB0]  }
0x91: {  	[tilespmem:s1+$0xFFFFFE50] =	vst v3;
	v3 =	vmul.f32 $8.000000000e+00, v5;
	v5 =	vld [tilespmem:s1+$0xFFFFFEC0]  }
0x92: {  	[tilespmem:s1+$0xFFFFFE60] =	vst v0;
	v0 =	vmul.f32 $8.000000000e+00, v6;
	v6 =	vld [tilespmem:s1+$0xFFFFFED0]  }
0x93: {  	[tilespmem:s1+$0xFFFFFE70] =	vst v3;
	v2 =	vmul.f32 $8.000000000e+00, v2;
	v3 =	vld [tilespmem:s1+$0xFFFFFEE0]  }
0x94: {  	[tilespmem:s1+$0xFFFFFE80] =	vst v0;
	v0 =	vmul.f32 $8.000000000e+00, v4;
	v4 =	vld [tilespmem:s1+$0xFFFFFEF0]  }
0x95: {  	[tilespmem:s1+$0xFFFFFE90] =	vst v2;
	v1 =	vmul.f32 $8.000000000e+00, v1;
	v2 =	vld [tilespmem:s1+$0xFFFFFF00]  }
0x96: {  	[tilespmem:s1+$0xFFFFFEA0] =	vst v0;
	v0 =	vmul.f32 $8.000000000e+00, v5;
	v5 =	vld [tilespmem:s1+$0xFFFFFF10]  }
0x97: {  	[tilespmem:s1+$0xFFFFFEB0] =	vst v1;
	v1 =	vmul.f32 $8.000000000e+00, v6;
	v6 =	vld [tilespmem:s1+$0xFFFFFF20]  }
0x98: {  	[tilespmem:s1+$0xFFFFFEC0] =	vst v0;
	v0 =	vmul.f32 $8.000000000e+00, v3;
	v3 =	vld [tilespmem:s1+$0xFFFFFF30]  }
0x99: {  	[tilespmem:s1+$0xFFFFFED0] =	vst v1;
	v1 =	vmul.f32 $8.000000000e+00, v4;
	v4 =	vld [tilespmem:s1+$0xFFFFFF40]  }
0x9a: {  	[tilespmem:s1+$0xFFFFFEE0] =	vst v0;
	v0 =	vmul.f32 $8.000000000e+00, v2;
	v2 =	vld [tilespmem:s1+$0xFFFFFF50]  }
0x9b: {  	[tilespmem:s1+$0xFFFFFEF0] =	vst v1;
	v1 =	vmul.f32 $8.000000000e+00, v5;
	v5 =	vld [tilespmem:s1+$0xFFFFFF60]  }
0x9c: {  	[tilespmem:s1+$0xFFFFFF00] =	vst v0;
	v0 =	vmul.f32 $8.000000000e+00, v6;
	v6 =	vld [tilespmem:s1+$0xFFFFFF70]  }
0x9d: {  	[tilespmem:s1+$0xFFFFFF10] =	vst v1;
	v1 =	vmul.f32 $8.000000000e+00, v3;
	v3 =	vld [tilespmem:s1+$0xFFFFFF80]  }
0x9e: {  	[tilespmem:s1+$0xFFFFFF20] =	vst v0;
	v0 =	vmul.f32 $8.000000000e+00, v4;
	v4 =	vld [tilespmem:s1+$0xFFFFFF90]  }
0x9f: {  	[tilespmem:s1+$0xFFFFFF30] =	vst v1;
	v1 =	vmul.f32 $8.000000000e+00, v2;
	v7 =	vld [tilespmem:s1+$0xFFFFFFA0]  }
0xa0: {  	[tilespmem:s1+$0xFFFFFF40] =	vst v0;
	v2 =	vmul.f32 $8.000000000e+00, v5;
	v8 =	vld [tilespmem:s1+$0xFFFFFFB0]  }
.Ltmp1:
0xa1: {  	[tilespmem:s1+$0xFFFFFF50] =	vst v1;
	v5 =	vmul.f32 $8.000000000e+00, v6;
	v0 =	vld [tilespmem:s1+$0xFFFFFFC0];
	(pc) =	sbr.rel @p0 .LBB2_5-.Ltmp1, $4  }
0xa2: {  	[tilespmem:s1+$0xFFFFFF60] =	vst v2;
	v3 =	vmul.f32 $8.000000000e+00, v3;
	v1 =	vld [tilespmem:s1+$0xFFFFFFD0]  }
0xa3: {  	[tilespmem:s1+$0xFFFFFF70] =	vst v5;
	v6 =	vmul.f32 $8.000000000e+00, v4;
	v2 =	vld [tilespmem:s1+$0xFFFFFFE0]  }
0xa4: {  	[tilespmem:s1+$0xFFFFFF80] =	vst v3;
	v5 =	vmul.f32 $8.000000000e+00, v7;
	v3 =	vld [tilespmem:s1+$0xFFFFFFF0]  }
0xa5: {  	s1 =	sadd.s32 $0x200, s1;
	v4 =	vld [tilespmem:s17+$0xFFFFFE10];
	[tilespmem:s17+$0xFFFFFF90] =	vst v6;
	v6 =	vmul.f32 $8.000000000e+00, v8  }
0xa6: {  	[tilespmem:s17+$0xFFFFFFA0] =	vst v5;
	v0 =	vmul.f32 $8.000000000e+00, v0  }
0xa7: {  	[tilespmem:s17+$0xFFFFFFB0] =	vst v6;
	v1 =	vmul.f32 $8.000000000e+00, v1  }
0xa8: {  	[tilespmem:s17+$0xFFFFFFC0] =	vst v0;
	v0 =	vmul.f32 $8.000000000e+00, v2  }
0xa9: {  	[tilespmem:s17+$0xFFFFFFD0] =	vst v1;
	v1 =	vmul.f32 $8.000000000e+00, v3  }
0xaa: {  	v2 =	vmul.f32 $8.000000000e+00, v4;
	[tilespmem:s17+$0xFFFFFFE0] =	vst v0  }
0xab: {  	s18 =	sshll.u32 s16, $0x2;
	p0 =	seq.s32 s16, $0x0;
	[tilespmem:s17+$0xFFFFFFF0] =	vst v1  }
0xac: {  	s1 =	simm.s32 @!p0 $0x4;
	[tilespmem:s17+$0xFFFFFE10] =	vst v2;
	s17 =	sor.u32 s10, s18  }
0xad: {  	_ =	swait.ge @!p0 [sflag:s1], $0x6400;
	s7 =	smul.u32 $0x19, s17  }
0xae: {  	[sflag:s1] =	ssyncset.done @!p0 $0x0  }
0xaf: {  	[sflag:s1] =	ssyncadd.s32 @!p0 $0xFFFF9C00;
	s9 =	sadd.s32 s2, s7  }
0xb0: {  	[tilespmem:s21], [sflag:$0x5] =	stream.linear.gather [hbm4b:s9+s3], $0x190, $0x38;
	[tilespmem:$0xCB20] =	vst v63  }
0xb1: {  	_ =	swait.ge [sflag:s11], $0x190  }
0xb2: {  	[sflag:s11] =	ssyncset.done $0x0  }
0xb3: {  	s7 =	simm.s32 $0x6720;
	[sflag:s11] =	ssyncadd.s32 $0xFFFFFE70  }
0xb4: {  	[tilespmem:s7], [sflag:$0x2] =	stream.indirect.gather [hbm4b:s5+s12], $0x40, s21, s12, $0xb8;
	[tilespmem:$0xCB20] =	vst v63  }
0xb5: {  	_ = 	snop  }
0xb6: {  	[tilespmem:s23], [sflag:$0x2] =	stream.indirect.gather [hbm4b:s5+s14], $0x40, s22, s14, $0xb8;
	[tilespmem:$0xCB20] =	vst v63  }
0xb7: {  	s19 =	sadd.s32 s4, s18  }
0xb8: {  	[tilespmem:s25], [sflag:$0x2] =	stream.indirect.gather [hbm4b:s5+s12], $0x40, s24, s12, $0xb8;
	[tilespmem:$0xCB20] =	vst v63  }
0xb9: {  	s1 =	smul.u32 $0xC80, s19  }
0xba: {  	[tilespmem:s28], [sflag:$0x2] =	stream.indirect.gather [hbm4b:s5+s14], $0x40, s26, s14, $0xb8;
	[tilespmem:$0xCB20] =	vst v63  }
0xbb: {  	s1 =	sadd.s32 s6, s1  }
0xbc: {  	[hbm4b:s1+s29] =	stream.strided.scatter [tilespmem:s13], [sflag:$0x3], $0x6400, s12, s29, $0x38;
	[tilespmem:$0xCB20] =	vst v63  }
0xbd: {  	_ =	swait.ge [sflag:s30], $0x6400  }
0xbe: {  	[sflag:s30] =	ssyncset.done $0x0  }
0xbf: {  	[sflag:s30] =	ssyncadd.s32 $0xFFFF9C00  }
0xc0: {  	v0 =	vld [tilespmem:s7+$0x1F0]  }
0xc1: {  	v1 =	vld [tilespmem:s7+$0x10]  }
0xc2: {  	v2 =	vld [tilespmem:s7+$0x20]  }
0xc3: {  	v3 =	vld [tilespmem:s7+$0x30]  }
0xc4: {  	v4 =	vld [tilespmem:s7+$0x40]  }
0xc5: {  	v5 =	vld [tilespmem:s7+$0x50];
	v0 =	vmul.f32 $8.000000000e+00, v0  }
0xc6: {  	v6 =	vld [tilespmem:s7+$0x60];
	v1 =	vmul.f32 $8.000000000e+00, v1  }
0xc7: {  	v7 =	vld [tilespmem:s7+$0x70];
	v2 =	vmul.f32 $8.000000000e+00, v2;
	[tilespmem:s7+$0x1F0] =	vst v0  }
0xc8: {  	[tilespmem:s7+$0x10] =	vst v1;
	v0 =	vmul.f32 $8.000000000e+00, v3;
	v1 =	vld [tilespmem:s7+$0x80]  }
0xc9: {  	[tilespmem:s7+$0x20] =	vst v2;
	v2 =	vmul.f32 $8.000000000e+00, v4;
	v3 =	vld [tilespmem:s7+$0x90]  }
0xca: {  	v4 =	vld [tilespmem:s7+$0xA0];
	[tilespmem:s7+$0x30] =	vst v0;
	v0 =	vmul.f32 $8.000000000e+00, v5  }
0xcb: {  	[tilespmem:s7+$0x40] =	vst v2;
	v2 =	vmul.f32 $8.000000000e+00, v6;
	v5 =	vld [tilespmem:s7+$0xB0]  }
0xcc: {  	v6 =	vld [tilespmem:s7+$0xC0];
	[tilespmem:s7+$0x50] =	vst v0;
	v0 =	vmul.f32 $8.000000000e+00, v7  }
0xcd: {  	[tilespmem:s7+$0x60] =	vst v2;
	v2 =	vld [tilespmem:s7+$0xD0];
	v1 =	vmul.f32 $8.000000000e+00, v1  }
0xce: {  	[tilespmem:s7+$0x70] =	vst v0;
	v0 =	vmul.f32 $8.000000000e+00, v3;
	v3 =	vld [tilespmem:s7+$0xE0]  }
0xcf: {  	[tilespmem:s7+$0x80] =	vst v1;
	v1 =	vmul.f32 $8.000000000e+00, v4;
	v4 =	vld [tilespmem:s7+$0xF0]  }
0xd0: {  	[tilespmem:s7+$0x90] =	vst v0;
	v0 =	vmul.f32 $8.000000000e+00, v5;
	v5 =	vld [tilespmem:s7+$0x100]  }
0xd1: {  	[tilespmem:s7+$0xA0] =	vst v1;
	v1 =	vmul.f32 $8.000000000e+00, v6;
	v6 =	vld [tilespmem:s7+$0x110]  }
0xd2: {  	[tilespmem:s7+$0xB0] =	vst v0;
	v0 =	vmul.f32 $8.000000000e+00, v2;
	v2 =	vld [tilespmem:s7+$0x120]  }
0xd3: {  	[tilespmem:s7+$0xC0] =	vst v1;
	v1 =	vmul.f32 $8.000000000e+00, v3;
	v3 =	vld [tilespmem:s7+$0x130]  }
0xd4: {  	[tilespmem:s7+$0xD0] =	vst v0;
	v0 =	vmul.f32 $8.000000000e+00, v4;
	v4 =	vld [tilespmem:s7+$0x140]  }
0xd5: {  	[tilespmem:s7+$0xE0] =	vst v1;
	v1 =	vmul.f32 $8.000000000e+00, v5;
	v5 =	vld [tilespmem:s7+$0x150]  }
0xd6: {  	[tilespmem:s7+$0xF0] =	vst v0;
	v0 =	vmul.f32 $8.000000000e+00, v6;
	v6 =	vld [tilespmem:s7+$0x160]  }
0xd7: {  	[tilespmem:s7+$0x100] =	vst v1;
	v1 =	vmul.f32 $8.000000000e+00, v2;
	v2 =	vld [tilespmem:s7+$0x170]  }
0xd8: {  	[tilespmem:s7+$0x110] =	vst v0;
	v0 =	vmul.f32 $8.000000000e+00, v3;
	v3 =	vld [tilespmem:s7+$0x180]  }
0xd9: {  	[tilespmem:s7+$0x120] =	vst v1;
	v1 =	vmul.f32 $8.000000000e+00, v4;
	v4 =	vld [tilespmem:s7+$0x190]  }
0xda: {  	v7 =	vld [tilespmem:s7+$0x1A0];
	[tilespmem:s7+$0x130] =	vst v0;
	v5 =	vmul.f32 $8.000000000e+00, v5  }
0xdb: {  	v0 =	vld [tilespmem:s7+$0x1B0];
	[tilespmem:s7+$0x140] =	vst v1;
	v6 =	vmul.f32 $8.000000000e+00, v6  }
0xdc: {  	v1 =	vld [tilespmem:s7+$0x1C0];
	[tilespmem:s7+$0x150] =	vst v5;
	v5 =	vmul.f32 $8.000000000e+00, v2  }
0xdd: {  	v2 =	vld [tilespmem:s7+$0x1D0];
	[tilespmem:s7+$0x160] =	vst v6;
	v6 =	vmul.f32 $8.000000000e+00, v3  }
0xde: {  	v3 =	vld [tilespmem:s7+$0x1E0];
	[tilespmem:s7+$0x170] =	vst v5;
	v5 =	vmul.f32 $8.000000000e+00, v4  }
0xdf: {  	s9 =	simm.s32 $0x0;
	s1 =	simm.s32 $0x6920;
	v4 =	vld [tilespmem:s7+$0x0];
	[tilespmem:s7+$0x180] =	vst v6;
	v6 =	vmul.f32 $8.000000000e+00, v7  }
.LBB2_7:
0xe0: {  	v7 =	vld [tilespmem:s1+$0x1F0];
	s9 =	sadd.s32 $0x8, s9;
	[tilespmem:s7+$0x190] =	vst v5;
	v0 =	vmul.f32 $8.000000000e+00, v0  }
0xe1: {  	v5 =	vld [tilespmem:s1+$0x10];
	p0 =	slt.u32 s9, $0xC0;
	[tilespmem:s7+$0x1A0] =	vst v6;
	v1 =	vmul.f32 $8.000000000e+00, v1  }
0xe2: {  	v6 =	vld [tilespmem:s1+$0x20];
	[tilespmem:s7+$0x1B0] =	vst v0;
	v0 =	vmul.f32 $8.000000000e+00, v2  }
0xe3: {  	v2 =	vld [tilespmem:s1+$0x30];
	[tilespmem:s7+$0x1C0] =	vst v1;
	v1 =	vmul.f32 $8.000000000e+00, v3  }
0xe4: {  	v3 =	vld [tilespmem:s1+$0x40];
	v4 =	vmul.f32 $8.000000000e+00, v4;
	[tilespmem:s7+$0x1D0] =	vst v0  }
0xe5: {  	v0 =	vld [tilespmem:s1+$0x50];
	v7 =	vmul.f32 $8.000000000e+00, v7;
	[tilespmem:s7+$0x1E0] =	vst v1  }
0xe6: {  	v1 =	vmul.f32 $8.000000000e+00, v5;
	v5 =	vld [tilespmem:s1+$0x60];
	[tilespmem:s7+$0x0] =	vst v4;
	s7 =	smov.u32 s1  }
0xe7: {  	s19 =	simm.s32 $0x9920;
	v4 =	vmul.f32 $8.000000000e+00, v6;
	v6 =	vld [tilespmem:s1+$0x70];
	[tilespmem:s1+$0x1F0] =	vst v7  }
0xe8: {  	[tilespmem:s1+$0x10] =	vst v1;
	v1 =	vmul.f32 $8.000000000e+00, v2;
	v2 =	vld [tilespmem:s1+$0x80]  }
0xe9: {  	[tilespmem:s1+$0x20] =	vst v4;
	v3 =	vmul.f32 $8.000000000e+00, v3;
	v4 =	vld [tilespmem:s1+$0x90]  }
0xea: {  	[tilespmem:s1+$0x30] =	vst v1;
	v0 =	vmul.f32 $8.000000000e+00, v0;
	v1 =	vld [tilespmem:s1+$0xA0]  }
0xeb: {  	[tilespmem:s1+$0x40] =	vst v3;
	v3 =	vmul.f32 $8.000000000e+00, v5;
	v5 =	vld [tilespmem:s1+$0xB0]  }
0xec: {  	[tilespmem:s1+$0x50] =	vst v0;
	v0 =	vmul.f32 $8.000000000e+00, v6;
	v6 =	vld [tilespmem:s1+$0xC0]  }
0xed: {  	[tilespmem:s1+$0x60] =	vst v3;
	v2 =	vmul.f32 $8.000000000e+00, v2;
	v3 =	vld [tilespmem:s1+$0xD0]  }
0xee: {  	[tilespmem:s1+$0x70] =	vst v0;
	v0 =	vmul.f32 $8.000000000e+00, v4;
	v4 =	vld [tilespmem:s1+$0xE0]  }
0xef: {  	[tilespmem:s1+$0x80] =	vst v2;
	v1 =	vmul.f32 $8.000000000e+00, v1;
	v2 =	vld [tilespmem:s1+$0xF0]  }
0xf0: {  	[tilespmem:s1+$0x90] =	vst v0;
	v0 =	vmul.f32 $8.000000000e+00, v5;
	v5 =	vld [tilespmem:s1+$0x100]  }
0xf1: {  	[tilespmem:s1+$0xA0] =	vst v1;
	v1 =	vmul.f32 $8.000000000e+00, v6;
	v6 =	vld [tilespmem:s1+$0x110]  }
0xf2: {  	[tilespmem:s1+$0xB0] =	vst v0;
	v0 =	vmul.f32 $8.000000000e+00, v3;
	v3 =	vld [tilespmem:s1+$0x120]  }
0xf3: {  	[tilespmem:s1+$0xC0] =	vst v1;
	v1 =	vmul.f32 $8.000000000e+00, v4;
	v4 =	vld [tilespmem:s1+$0x130]  }
0xf4: {  	[tilespmem:s1+$0xD0] =	vst v0;
	v0 =	vmul.f32 $8.000000000e+00, v2;
	v2 =	vld [tilespmem:s1+$0x140]  }
0xf5: {  	[tilespmem:s1+$0xE0] =	vst v1;
	v1 =	vmul.f32 $8.000000000e+00, v5;
	v5 =	vld [tilespmem:s1+$0x150]  }
0xf6: {  	[tilespmem:s1+$0xF0] =	vst v0;
	v0 =	vmul.f32 $8.000000000e+00, v6;
	v6 =	vld [tilespmem:s1+$0x160]  }
0xf7: {  	[tilespmem:s1+$0x100] =	vst v1;
	v1 =	vmul.f32 $8.000000000e+00, v3;
	v3 =	vld [tilespmem:s1+$0x170]  }
0xf8: {  	[tilespmem:s1+$0x110] =	vst v0;
	v0 =	vmul.f32 $8.000000000e+00, v4;
	v4 =	vld [tilespmem:s1+$0x180]  }
0xf9: {  	[tilespmem:s1+$0x120] =	vst v1;
	v1 =	vmul.f32 $8.000000000e+00, v2;
	v7 =	vld [tilespmem:s1+$0x190]  }
0xfa: {  	[tilespmem:s1+$0x130] =	vst v0;
	v2 =	vmul.f32 $8.000000000e+00, v5;
	v8 =	vld [tilespmem:s1+$0x1A0]  }
.Ltmp2:
0xfb: {  	[tilespmem:s1+$0x140] =	vst v1;
	v5 =	vmul.f32 $8.000000000e+00, v6;
	v0 =	vld [tilespmem:s1+$0x1B0];
	(pc) =	sbr.rel @p0 .LBB2_7-.Ltmp2, $4  }
0xfc: {  	[tilespmem:s1+$0x150] =	vst v2;
	v3 =	vmul.f32 $8.000000000e+00, v3;
	v1 =	vld [tilespmem:s1+$0x1C0]  }
0xfd: {  	[tilespmem:s1+$0x160] =	vst v5;
	v6 =	vmul.f32 $8.000000000e+00, v4;
	v2 =	vld [tilespmem:s1+$0x1D0]  }
0xfe: {  	[tilespmem:s1+$0x170] =	vst v3;
	v5 =	vmul.f32 $8.000000000e+00, v7;
	v3 =	vld [tilespmem:s1+$0x1E0]  }
0xff: {  	s1 =	sadd.s32 $0x200, s1;
	v4 =	vld [tilespmem:s7+$0x0];
	[tilespmem:s7+$0x180] =	vst v6;
	v6 =	vmul.f32 $8.000000000e+00, v8  }
0x100: {  	[tilespmem:s7+$0x190] =	vst v5;
	v0 =	vmul.f32 $8.000000000e+00, v0  }
0x101: {  	[tilespmem:s7+$0x1A0] =	vst v6;
	v1 =	vmul.f32 $8.000000000e+00, v1  }
0x102: {  	[tilespmem:s7+$0x1B0] =	vst v0;
	v0 =	vmul.f32 $8.000000000e+00, v2  }
0x103: {  	[tilespmem:s7+$0x1C0] =	vst v1;
	v1 =	vmul.f32 $8.000000000e+00, v3  }
0x104: {  	v2 =	vmul.f32 $8.000000000e+00, v4;
	[tilespmem:s7+$0x1D0] =	vst v0  }
0x105: {  	[tilespmem:s7+$0x1E0] =	vst v1  }
0x106: {  	[tilespmem:s7+$0x0] =	vst v2  }
0x107: {  	v0 =	vld [tilespmem:s19+$0x1F0]  }
0x108: {  	v1 =	vld [tilespmem:s19+$0x10]  }
0x109: {  	v2 =	vld [tilespmem:s19+$0x20]  }
0x10a: {  	v3 =	vld [tilespmem:s19+$0x30]  }
0x10b: {  	v4 =	vld [tilespmem:s19+$0x40]  }
0x10c: {  	v5 =	vld [tilespmem:s19+$0x50];
	v0 =	vmul.f32 $8.000000000e+00, v0  }
0x10d: {  	v6 =	vld [tilespmem:s19+$0x60];
	v1 =	vmul.f32 $8.000000000e+00, v1  }
0x10e: {  	v7 =	vld [tilespmem:s19+$0x70];
	v2 =	vmul.f32 $8.000000000e+00, v2;
	[tilespmem:s19+$0x1F0] =	vst v0  }
0x10f: {  	[tilespmem:s19+$0x10] =	vst v1;
	v0 =	vmul.f32 $8.000000000e+00, v3;
	v1 =	vld [tilespmem:s19+$0x80]  }
0x110: {  	[tilespmem:s19+$0x20] =	vst v2;
	v2 =	vmul.f32 $8.000000000e+00, v4;
	v3 =	vld [tilespmem:s19+$0x90]  }
0x111: {  	v4 =	vld [tilespmem:s19+$0xA0];
	[tilespmem:s19+$0x30] =	vst v0;
	v0 =	vmul.f32 $8.000000000e+00, v5  }
0x112: {  	[tilespmem:s19+$0x40] =	vst v2;
	v2 =	vmul.f32 $8.000000000e+00, v6;
	v5 =	vld [tilespmem:s19+$0xB0]  }
0x113: {  	v6 =	vld [tilespmem:s19+$0xC0];
	[tilespmem:s19+$0x50] =	vst v0;
	v0 =	vmul.f32 $8.000000000e+00, v7  }
0x114: {  	[tilespmem:s19+$0x60] =	vst v2;
	v2 =	vld [tilespmem:s19+$0xD0];
	v1 =	vmul.f32 $8.000000000e+00, v1  }
0x115: {  	[tilespmem:s19+$0x70] =	vst v0;
	v0 =	vmul.f32 $8.000000000e+00, v3;
	v3 =	vld [tilespmem:s19+$0xE0]  }
0x116: {  	[tilespmem:s19+$0x80] =	vst v1;
	v1 =	vmul.f32 $8.000000000e+00, v4;
	v4 =	vld [tilespmem:s19+$0xF0]  }
0x117: {  	[tilespmem:s19+$0x90] =	vst v0;
	v0 =	vmul.f32 $8.000000000e+00, v5;
	v5 =	vld [tilespmem:s19+$0x100]  }
0x118: {  	[tilespmem:s19+$0xA0] =	vst v1;
	v1 =	vmul.f32 $8.000000000e+00, v6;
	v6 =	vld [tilespmem:s19+$0x110]  }
0x119: {  	[tilespmem:s19+$0xB0] =	vst v0;
	v0 =	vmul.f32 $8.000000000e+00, v2;
	v2 =	vld [tilespmem:s19+$0x120]  }
0x11a: {  	[tilespmem:s19+$0xC0] =	vst v1;
	v1 =	vmul.f32 $8.000000000e+00, v3;
	v3 =	vld [tilespmem:s19+$0x130]  }
0x11b: {  	[tilespmem:s19+$0xD0] =	vst v0;
	v0 =	vmul.f32 $8.000000000e+00, v4;
	v4 =	vld [tilespmem:s19+$0x140]  }
0x11c: {  	[tilespmem:s19+$0xE0] =	vst v1;
	v1 =	vmul.f32 $8.000000000e+00, v5;
	v5 =	vld [tilespmem:s19+$0x150]  }
0x11d: {  	[tilespmem:s19+$0xF0] =	vst v0;
	v0 =	vmul.f32 $8.000000000e+00, v6;
	v6 =	vld [tilespmem:s19+$0x160]  }
0x11e: {  	[tilespmem:s19+$0x100] =	vst v1;
	v1 =	vmul.f32 $8.000000000e+00, v2;
	v2 =	vld [tilespmem:s19+$0x170]  }
0x11f: {  	[tilespmem:s19+$0x110] =	vst v0;
	v0 =	vmul.f32 $8.000000000e+00, v3;
	v3 =	vld [tilespmem:s19+$0x180]  }
0x120: {  	[tilespmem:s19+$0x120] =	vst v1;
	v1 =	vmul.f32 $8.000000000e+00, v4;
	v4 =	vld [tilespmem:s19+$0x190]  }
0x121: {  	v7 =	vld [tilespmem:s19+$0x1A0];
	[tilespmem:s19+$0x130] =	vst v0;
	v5 =	vmul.f32 $8.000000000e+00, v5  }
0x122: {  	v0 =	vld [tilespmem:s19+$0x1B0];
	[tilespmem:s19+$0x140] =	vst v1;
	v6 =	vmul.f32 $8.000000000e+00, v6  }
0x123: {  	v1 =	vld [tilespmem:s19+$0x1C0];
	[tilespmem:s19+$0x150] =	vst v5;
	v5 =	vmul.f32 $8.000000000e+00, v2  }
0x124: {  	v2 =	vld [tilespmem:s19+$0x1D0];
	[tilespmem:s19+$0x160] =	vst v6;
	v6 =	vmul.f32 $8.000000000e+00, v3  }
0x125: {  	v3 =	vld [tilespmem:s19+$0x1E0];
	[tilespmem:s19+$0x170] =	vst v5;
	v5 =	vmul.f32 $8.000000000e+00, v4  }
0x126: {  	s1 =	simm.s32 $0x9B20;
	s7 =	simm.s32 $0x0;
	v4 =	vld [tilespmem:s19+$0x0];
	[tilespmem:s19+$0x180] =	vst v6;
	v6 =	vmul.f32 $8.000000000e+00, v7  }
.LBB2_9:
0x127: {  	v7 =	vld [tilespmem:s1+$0x1F0];
	s7 =	sadd.s32 $0x8, s7;
	[tilespmem:s19+$0x190] =	vst v5;
	v0 =	vmul.f32 $8.000000000e+00, v0  }
0x128: {  	v5 =	vld [tilespmem:s1+$0x10];
	p0 =	slt.u32 s7, $0xC0;
	[tilespmem:s19+$0x1A0] =	vst v6;
	v1 =	vmul.f32 $8.000000000e+00, v1  }
0x129: {  	v6 =	vld [tilespmem:s1+$0x20];
	[tilespmem:s19+$0x1B0] =	vst v0;
	v0 =	vmul.f32 $8.000000000e+00, v2  }
0x12a: {  	v2 =	vld [tilespmem:s1+$0x30];
	[tilespmem:s19+$0x1C0] =	vst v1;
	v1 =	vmul.f32 $8.000000000e+00, v3  }
0x12b: {  	v3 =	vld [tilespmem:s1+$0x40];
	v4 =	vmul.f32 $8.000000000e+00, v4;
	[tilespmem:s19+$0x1D0] =	vst v0  }
0x12c: {  	v0 =	vld [tilespmem:s1+$0x50];
	v7 =	vmul.f32 $8.000000000e+00, v7;
	[tilespmem:s19+$0x1E0] =	vst v1  }
0x12d: {  	v1 =	vmul.f32 $8.000000000e+00, v5;
	v5 =	vld [tilespmem:s1+$0x60];
	[tilespmem:s19+$0x0] =	vst v4;
	s19 =	smov.u32 s1  }
0x12e: {  	v4 =	vmul.f32 $8.000000000e+00, v6;
	v6 =	vld [tilespmem:s1+$0x70];
	[tilespmem:s1+$0x1F0] =	vst v7  }
0x12f: {  	[tilespmem:s1+$0x10] =	vst v1;
	v1 =	vmul.f32 $8.000000000e+00, v2;
	v2 =	vld [tilespmem:s1+$0x80]  }
0x130: {  	[tilespmem:s1+$0x20] =	vst v4;
	v3 =	vmul.f32 $8.000000000e+00, v3;
	v4 =	vld [tilespmem:s1+$0x90]  }
0x131: {  	[tilespmem:s1+$0x30] =	vst v1;
	v0 =	vmul.f32 $8.000000000e+00, v0;
	v1 =	vld [tilespmem:s1+$0xA0]  }
0x132: {  	[tilespmem:s1+$0x40] =	vst v3;
	v3 =	vmul.f32 $8.000000000e+00, v5;
	v5 =	vld [tilespmem:s1+$0xB0]  }
0x133: {  	[tilespmem:s1+$0x50] =	vst v0;
	v0 =	vmul.f32 $8.000000000e+00, v6;
	v6 =	vld [tilespmem:s1+$0xC0]  }
0x134: {  	[tilespmem:s1+$0x60] =	vst v3;
	v2 =	vmul.f32 $8.000000000e+00, v2;
	v3 =	vld [tilespmem:s1+$0xD0]  }
0x135: {  	[tilespmem:s1+$0x70] =	vst v0;
	v0 =	vmul.f32 $8.000000000e+00, v4;
	v4 =	vld [tilespmem:s1+$0xE0]  }
0x136: {  	[tilespmem:s1+$0x80] =	vst v2;
	v1 =	vmul.f32 $8.000000000e+00, v1;
	v2 =	vld [tilespmem:s1+$0xF0]  }
0x137: {  	[tilespmem:s1+$0x90] =	vst v0;
	v0 =	vmul.f32 $8.000000000e+00, v5;
	v5 =	vld [tilespmem:s1+$0x100]  }
0x138: {  	[tilespmem:s1+$0xA0] =	vst v1;
	v1 =	vmul.f32 $8.000000000e+00, v6;
	v6 =	vld [tilespmem:s1+$0x110]  }
0x139: {  	[tilespmem:s1+$0xB0] =	vst v0;
	v0 =	vmul.f32 $8.000000000e+00, v3;
	v3 =	vld [tilespmem:s1+$0x120]  }
0x13a: {  	[tilespmem:s1+$0xC0] =	vst v1;
	v1 =	vmul.f32 $8.000000000e+00, v4;
	v4 =	vld [tilespmem:s1+$0x130]  }
0x13b: {  	[tilespmem:s1+$0xD0] =	vst v0;
	v0 =	vmul.f32 $8.000000000e+00, v2;
	v2 =	vld [tilespmem:s1+$0x140]  }
0x13c: {  	[tilespmem:s1+$0xE0] =	vst v1;
	v1 =	vmul.f32 $8.000000000e+00, v5;
	v5 =	vld [tilespmem:s1+$0x150]  }
0x13d: {  	[tilespmem:s1+$0xF0] =	vst v0;
	v0 =	vmul.f32 $8.000000000e+00, v6;
	v6 =	vld [tilespmem:s1+$0x160]  }
0x13e: {  	[tilespmem:s1+$0x100] =	vst v1;
	v1 =	vmul.f32 $8.000000000e+00, v3;
	v3 =	vld [tilespmem:s1+$0x170]  }
0x13f: {  	[tilespmem:s1+$0x110] =	vst v0;
	v0 =	vmul.f32 $8.000000000e+00, v4;
	v4 =	vld [tilespmem:s1+$0x180]  }
0x140: {  	[tilespmem:s1+$0x120] =	vst v1;
	v1 =	vmul.f32 $8.000000000e+00, v2;
	v7 =	vld [tilespmem:s1+$0x190]  }
0x141: {  	[tilespmem:s1+$0x130] =	vst v0;
	v2 =	vmul.f32 $8.000000000e+00, v5;
	v8 =	vld [tilespmem:s1+$0x1A0]  }
.Ltmp3:
0x142: {  	[tilespmem:s1+$0x140] =	vst v1;
	v5 =	vmul.f32 $8.000000000e+00, v6;
	v0 =	vld [tilespmem:s1+$0x1B0];
	(pc) =	sbr.rel @p0 .LBB2_9-.Ltmp3, $4  }
0x143: {  	[tilespmem:s1+$0x150] =	vst v2;
	v3 =	vmul.f32 $8.000000000e+00, v3;
	v1 =	vld [tilespmem:s1+$0x1C0]  }
0x144: {  	[tilespmem:s1+$0x160] =	vst v5;
	v6 =	vmul.f32 $8.000000000e+00, v4;
	v2 =	vld [tilespmem:s1+$0x1D0]  }
0x145: {  	[tilespmem:s1+$0x170] =	vst v3;
	v5 =	vmul.f32 $8.000000000e+00, v7;
	v3 =	vld [tilespmem:s1+$0x1E0]  }
0x146: {  	s1 =	sadd.s32 $0x200, s1;
	v4 =	vld [tilespmem:s19+$0x0];
	[tilespmem:s19+$0x180] =	vst v6;
	v6 =	vmul.f32 $8.000000000e+00, v8  }
0x147: {  	[tilespmem:s19+$0x190] =	vst v5;
	v0 =	vmul.f32 $8.000000000e+00, v0  }
0x148: {  	[tilespmem:s19+$0x1A0] =	vst v6;
	v1 =	vmul.f32 $8.000000000e+00, v1  }
0x149: {  	[tilespmem:s19+$0x1B0] =	vst v0;
	v61 =	vmul.f32 $8.000000000e+00, v2  }
0x14a: {  	[tilespmem:s19+$0x1C0] =	vst v1;
	v62 =	vmul.f32 $8.000000000e+00, v3  }
0x14b: {  	v63 =	vmul.f32 $8.000000000e+00, v4;
	[tilespmem:s19+$0x1D0] =	vst v61  }
0x14c: {  	p0 =	seq.s32 s16, $0x1F;
	[tilespmem:s19+$0x1E0] =	vst v62  }
0x14d: {  	s1 =	sadd.s32 @!p0 s18, s8;
	[tilespmem:s19+$0x0] =	vst v63  }
0x14e: {  	s1 =	smul.u32 @!p0 $0x19, s1;
	_ =	swait.ge [sflag:s31], $0x6400  }
0x14f: {  	[sflag:s31] =	ssyncset.done $0x0  }
0x150: {  	s7 =	simm.s32 @!p0 $0x0;
	s1 =	sadd.s32 @!p0 s2, s1;
	[sflag:s31] =	ssyncadd.s32 $0xFFFF9C00  }
0x151: {  	[tilespmem:s7], [sflag:$0x5] =	stream.linear.gather @!p0 [hbm4b:s1+s7], $0x190, $0x38;
	[tilespmem:$0xCB20] =	vst v63  }
0x152: {  	s1 =	simm.s32 @!p0 $0x5  }
0x153: {  	_ =	swait.ge @!p0 [sflag:s1], $0x190  }
0x154: {  	[sflag:s1] =	ssyncset.done @!p0 $0x0  }
0x155: {  	s9 =	simm.s32 @!p0 $0x320;
	[sflag:s1] =	ssyncadd.s32 @!p0 $0xFFFFFE70;
	s1 =	simm.s32 @!p0 $0x80  }
0x156: {  	[tilespmem:s9], [sflag:$0x1] =	stream.indirect.gather @!p0 [hbm4b:s5+s1], $0x40, s7, s1, $0xb8;
	[tilespmem:$0xCB20] =	vst v63  }
0x157: {  	s7 =	simm.s32 @!p0 $0x48;
	s9 =	simm.s32 @!p0 $0x2320  }
0x158: {  	[tilespmem:s9], [sflag:$0x1] =	stream.indirect.gather @!p0 [hbm4b:s5+s7], $0x40, s1, s7, $0xb8;
	[tilespmem:$0xCB20] =	vst v63  }
0x159: {  	s18 =	simm.s32 @!p0 $0x3520;
	s9 =	simm.s32 @!p0 $0xC8  }
0x15a: {  	[tilespmem:s18], [sflag:$0x1] =	stream.indirect.gather @!p0 [hbm4b:s5+s1], $0x40, s9, s1, $0xb8;
	[tilespmem:$0xCB20] =	vst v63  }
0x15b: {  	s16 =	sadd.s32 $0x1, s16;
	s1 =	simm.s32 @!p0 $0x148;
	s9 =	simm.s32 @!p0 $0x5520  }
0x15c: {  	[tilespmem:s9], [sflag:$0x1] =	stream.indirect.gather @!p0 [hbm4b:s5+s7], $0x40, s1, s7, $0xb8;
	[tilespmem:$0xCB20] =	vst v63  }
0x15d: {  	p0 =	sne.s32 s16, $0x20  }
.Ltmp4:
0x15e: {  	_ = 	snop;
	(pc) =	sbr.rel @p0 .LBB2_2-.Ltmp4, $3  }
0x15f: {  	s17 =	smul.u32 $0xC80, s17;
	_ =	sdelay $0x1  }
0x160: {  	s19 =	sadd.s32 s6, s17  }
0x161: {  	[hbm4b:s19+s29] =	stream.strided.scatter [tilespmem:s0], [sflag:$0x4], $0x6400, s12, s29, $0x38;
	[tilespmem:$0xCB20] =	vst v63  }
0x162: {  	s7 =	simm.s32 $0x4  }
0x163: {  	_ =	swait.ge [sflag:s7], $0x6400  }
0x164: {  	s15 =	sadd.s32 $0x1, s15;
	s1 =	rddreg [dreg:$0x4]  }
0x165: {  	p0 =	sne.s32 s15, s1  }
.Ltmp5:
0x166: {  	_ = 	snop;
	(pc) =	sbr.rel @p0 .LBB2_1-.Ltmp5, $3  }
0x167: {  	_ =	sdelay $0x1  }
0x168: {  	[sflag:s7] =	ssyncset.done $0x0  }
0x169: {  	[sflag:s7] =	ssyncadd.s32 $0xFFFF9C00  }
0x16a: {  	_ =	sfence.sel $0x180000  }
0x16b: {  	[bflag:$0x0] =	sbarrier.arrive $0xFFFF  }
0x16c: {  	_ =	strace $0x90000047  }
0x16d: {  	s0 =	stileid.u32;
	[bflag:$0x2] =	sbarrier.arrive $0xFFFF  }
0x16e: {  	p0 =	sne.s32 s0, $0x0;
	s0 =	rddreg [dreg:$0x2]  }
0x16f: {  	s0 =	sadd.s32 @!p0 $0x100000, s0  }
0x170: {  	[sflag:s0] =	ssyncadd.tile.s32 @!p0 $0x1;
	_ =	shalt  }
.Lfunc_end2:
_tile_overlayer_lowered:
.L_overlay_start_2:
0x171: {  	(tag) =	ssettag $0x2  }
0x172: {  	s0 =	rddreg [dreg:$0x0];
	s2 =	stileid.u32  }
0x173: {  	s1 =	rddreg [dreg:$0x1];
	p0 =	sne.s32 s2, $0x0  }
0x174: {  	s3 =	rddreg [dreg:$0x2];
	[bflag:$0x3] =	sbarrier.arrive $0xFFFF;
	s2 =	simm.s32 @!p0 $0x1C05  }
0x175: {  	[timem:s3], [sflag:s2] =	dma.local @!p0 [hbm:s0], s1  }
0x176: {  	s0 =	simm.s32 @!p0 $0x5  }
0x177: {  	_ =	swait.ge @!p0 [sflag:s0], s1  }
0x178: {  	s1 =	ssub.s32 @!p0 $0x0, s1;
	[sflag:s0] =	ssyncset.done @!p0 $0x0  }
0x179: {  	[sflag:s0] =	ssyncadd.s32 @!p0 s1  }
0x17a: {  	[bflag:$0x3] =	sbarrier.arrive $0xFFFF  }
0x17b: {  	_ =	shalt  }

// kernel: sparse-core-data-format-call.cloned.1.call-start
scs
called_computation_lowered:
.L_overlay_start_0:
0x0: {  	s2 =	sld [smem:$0x3FD9]  }
0x1: {  	s3 =	sld [smem:$0x3FFE];
	_ =	sdelay $0x1  }
0x2: {  	s1 =	srdreg.scid  }
0x3: {  	s0 =	sand.u32 $0x1, s1  }
0x4: {  	s18 =	sshll.u32 s0, $0xA;
	s2 =	sadd.s32 s3, s2  }
0x5: {  	s2 =	sadd.s32 s2, s18  }
0x6: {  	[smem:$0x3FC6] =	sst s2  }
0x7: {  	_ = 	snop  }
0x8: {  	s2 =	sld [smem:$0x3FD0];
	(tm) =	ssettm $0x1  }
0x9: {  	s19 =	sld [smem:$0x3FFB];
	_ =	sdelay $0x3  }
0xa: {  	_ =	strace s19  }
0xb: {  	s3 =	sld [smem:$0x3FFC];
	_ =	sdelay $0x3  }
0xc: {  	_ =	strace s3  }
0xd: {  	s3 =	sld [smem:$0x3FFD];
	_ =	sdelay $0x3  }
0xe: {  	_ =	strace s3  }
0xf: {  	_ =	strace $0x8FFFFFFF  }
0x10: {  	s20 =	sld [smem:$0x3FDB];
	_ =	sdelay $0x1  }
0x11: {  	s4 =	simm.s32 $_scs_section_size  }
0x12: {  	s5 =	simm.s32 $_size__tile_overlayer_lowered;
	s6 =	simm.s32 $_tile_overlayer_lowered  }
0x13: {  	s23 =	simm.s32 $0x1BFF;
	s22 =	sshll.u32 s6, $0x1;
	s3 =	sadd.s32 s4, s20  }
0x14: {  	s7 =	simm.s32 $0x0;
	s21 =	sshll.u32 s5, $0x1;
	s5 =	sadd.s32 s22, s3  }
0x15: {  	[timem:s7], [sflag:s23] =	dma.local [hbm:s5], s21  }
0x16: {  	_ =	swait.ge [sflag:s23], s21  }
0x17: {  	s4 =	ssub.s32 $0x0, s21;
	[sflag:s23] =	ssyncset.done $0x0  }
0x18: {  	[sflag:s23] =	ssyncadd.s32 s4;
	_ =	sdelay $0x1  }
0x19: {  	s24 =	simm.s32 $0x1B8B  }
0x1a: {  	_ =	swait.ge [sflag:s24], $0x1  }
0x1b: {  	[sflag:s24] =	ssyncset.done $0x0  }
0x1c: {  	s26 =	simm.s32 $0x1B8E;
	s25 =	sld [smem:$0x3FFE];
	[sflag:s24] =	ssyncadd.s32 $0xFFFFFFFF  }
0x1d: {  	s27 =	simm.s32 $execute0_lowered;
	[smem:$0x3FD2] =	sst s26  }
0x1e: {  	s5 =	sshll.u32 s27, $0x1;
	_ =	strace $0x80000049;
	[dreg:$0x1] =	wrdreg $0xFFFFFFFF  }
0x1f: {  	s28 =	simm.s32 $_size_execute0_lowered;
	s3 =	sadd.s32 s3, s5;
	[dreg:$0x0] =	wrdreg $0x0  }
0x20: {  	s5 =	sshll.u32 s28, $0x1;
	[dreg:$0x2] =	wrdreg s3  }
0x21: {  	[dreg:$0x3] =	wrdreg s5  }
0x22: {  	[dreg:$0x4] =	wrdreg $0xC0  }
0x23: {  	_ =	task [dreg:s7], $0x5FFFF  }
0x24: {  	[dreg:$0x1] =	wrdreg $0xFFFFFFFF  }
0x25: {  	[dreg:$0x0] =	wrdreg $0x60  }
0x26: {  	[dreg:$0x2] =	wrdreg s25  }
0x27: {  	[dreg:$0x3] =	wrdreg s2  }
0x28: {  	[dreg:$0x4] =	wrdreg $0x9  }
0x29: {  	_ =	task.clear_ibuf [dreg:s7], $0x5FFFF;
	_ =	strace $0x90000049  }
0x2a: {  	s29 =	simm.s32 $0x9;
	_ =	strace $0x8000004B  }
0x2b: {  	_ =	swait.ge [sflag:s29], $0x1  }
0x2c: {  	[sflag:s29] =	ssyncadd.s32 $0xFFFFFFFF  }
0x2d: {  	_ =	strace $0x9000004B  }
0x2e: {  	_ =	sfence  }
0x2f: {  	s30 =	sld [smem:$0x0];
	_ =	sdelay $0x2  }
0x30: {  	s31 =	sshll.u32 s1, $0xD;
	s1 =	sshrl.u32 s1, $0x2  }
0x31: {  	s3 =	sand.u32 $0x4000, s31;
	s1 =	sadd.s32 s1, s30  }
0x32: {  	s0 =	sor.u32 s3, s0;
	s1 =	sshll.u32 s1, $0x11  }
0x33: {  	s0 =	sor.u32 s1, s0  }
0x34: {  	s0 =	sadd.s32 $0x8F2B, s0  }
0x35: {  	[sflag:s0] =	ssyncadd.remote.s32 $0x1  }
0x36: {  	_ =	sfence.sel $0xFFFF  }
0x37: {  	[dreg:$0x0] =	wrdreg $0xFFFFFFFF;
	(pc) =	sbr.abs _section_cstart, $3  }
0x38: {  	[dreg:$0x1] =	wrdreg $0xFFFFFFFF  }
0x39: {  	_ =	task.clear_ibuf [dreg:s7], $0x2FFFF;
	_ =	strace $0x9FFFFFFF  }
0x3a: {  	(tm) =	ssettm $0x7FFFFFFF  }
0x3b: {  	_ =	shalt  }
tec
execute0_lowered:
.L_overlay_start_1:
0x0: {  	(tag) =	ssettag $0x1  }
0x1: {  	s0 =	srdreg.scid  }
0x2: {  	s1 =	sshll.u32 s0, $0x4  }
0x3: {  	s0 =	stileid.u32;
	s1 =	sand.u32 $0x10, s1  }
0x4: {  	s1 =	sor.u32 s0, s1  }
0x5: {  	s6 =	rddreg [dreg:$0x0];
	s4 =	simm.s32 $0x1;
	s2 =	sshll.u32 s1, $0x7  }
0x6: {  	s7 =	simm.s32 $0x2;
	s12 =	simm.s32 $0x0;
	s1 =	ssub.s32 $0x1000, s2  }
0x7: {  	s8 =	simm.s32 $0x8000;
	s13 =	simm.s32 $0x0;
	s3 =	sand.u32 $0xF80, s1  }
0x8: {  	s9 =	simm.s32 $0x0;
	s5 =	sshrl.u32 s1, $0xC;
	p0 =	sne.s32 s3, $0x0  }
.Ltmp0:
0x9: {  	s1 =	rddreg [dreg:$0x2];
	s4 =	simm.s32 @!p0 $0x0;
	(pc) =	sbr.rel .LBB1_1-.Ltmp0, $4  }
0xa: {  	s11 =	simm.s32 $0x0;
	s3 =	rddreg [dreg:$0x1];
	s5 =	sadd.s32 s4, s5  }
0xb: {  	_ =	strace $0x8000004A;
	s4 =	simm.s32 $0x1;
	s5 =	smul.u32 $0xC8, s5  }
0xc: {  	s6 =	sadd.s32 $0xA00, s6;
	s10 =	smov.u32 s2;
	[sflag:s4] =	ssyncpa.u1 $0x0  }
0xd: {  	p0 =	por $0x0, $0x0;
	[sflag:s7] =	ssyncpa.u1 $0x0;
	s7 =	sor.u32 $0x1, s5  }
.LBB1_4:
0xe: {  	s16 =	sshll.u32 s13, $0x3;
	s17 =	sand.u32 $0x78, s13  }
0xf: {  	s30 =	sand.u32 $0x7E00, s13;
	s12 =	sshll.u32 s12, $0xF;
	s16 =	sand.u32 $0xC00, s16  }
0x10: {  	[tilespmem:s15+$0x810 ss:$0x81] =	vst.msk $0xffff, v2;
	s31 =	sand.u32 $0x7, s13;
	s16 =	sor.u32 s17, s16;
	s17 =	sadd.s32 s3, s30  }
0x11: {  	[tilespmem:s15+$0x1020 ss:$0x81] =	vst.msk $0xffff, v0;
	s13 =	sshll.u32 s31, $0x12;
	s12 =	sadd.s32 s12, s17;
	s16 =	sshrl.u32 s16, $0x3  }
0x12: {  	[tilespmem:s15+$0x0 ss:$0x81] =	vst.msk $0xffff, v1;
	s13 =	sor.u32 $0x400, s13;
	s12 =	sadd.s32 s16, s12  }
0x13: {  	[hbm4b:s12+s13] =	stream.strided.scatter [tilespmem:s14], [sflag:$0x2], $0x2000, s8, s13, $0x20;
	[tilespmem:$0x8080] =	vst v63  }
.LBB1_5:
0x14: {  	s14 =	sadd.s32 $0x1, s9  }
0x15: {  	s12 =	sadd.s32 $0x1000, s10;
	s16 =	smov.u32 s10;
	p2 =	sgt.s32 s14, $0xC7  }
0x16: {  	s16 =	smov.u32 @p2 s12  }
0x17: {  	s14 =	simm.s32 @p2 $0x0;
	p2 =	sgt.s32 s16, $0xFFF  }
0x18: {  	s16 =	smov.u32 @p2 s2;
	p2 =	sne.s32 s11, s7  }
.Ltmp1:
0x19: {  	p1 =	slt.u32 s11, $0x2;
	(pc) =	sbr.rel @!p2 .LBB1_6-.Ltmp1, $4  }
0x1a: {  	s15 =	simm.s32 @!p1 $0x2  }
0x1b: {  	s13 =	smov.u32 s10;
	p0 =	por !p0, !p0;
	_ =	swait.ge @!p1 [sflag:s15], $0x2000  }
0x1c: {  	s12 =	smov.u32 s9;
	[sflag:s15] =	ssyncset.done @!p1 $0x0;
	s9 =	smov.u32 s14  }
0x1d: {  	s11 =	sadd.s32 $0x1, s11;
	[sflag:s15] =	ssyncadd.s32 @!p1 $0xFFFFE000;
	s10 =	smov.u32 s16  }
.LBB1_1:
0x1e: {  	p1 =	sge.u32 s11, s5  }
0x1f: {  	s14 =	sand.u32 @!p1 $0x1FFFFFF, s9  }
0x20: {  	s15 =	smulhi.u32 @!p1 $0x147AE15, s14;
	_ =	sdelay $0x1  }
0x21: {  	s15 =	smul.u32 @!p1 $0xC8, s15  }
0x22: {  	s16 =	sxor.u32 @!p1 $0xFFFFFFFF, s11;
	s17 =	smul.u32 @!p1 $0xC80, s10  }
0x23: {  	s31 =	sadd.s32 $0xFFFFFFFF, s11;
	s16 =	sshll.u32 @!p1 s16, $0xD;
	s14 =	ssub.s32 @!p1 s14, s15  }
0x24: {  	s15 =	sand.u32 @!p1 $0x2000, s16;
	s16 =	sadd.s32 @!p1 s6, s17;
	s14 =	sshll.u32 @!p1 s14, $0x4  }
0x25: {  	s17 =	simm.s32 @!p1 $0x6400;
	s14 =	sadd.s32 @!p1 s14, s16;
	s16 =	simm.s32 @!p1 $0x40  }
0x26: {  	[tilespmem:s15], [sflag:$0x1] =	stream.strided.gather @!p1 [hbm4b:s14+s16], $0x2000, s17, s16, $0x38;
	[tilespmem:$0x8080] =	vst v63  }
0x27: {  	p1 =	sge.u32 s31, s5  }
.Ltmp2:
0x28: {  	_ = 	snop;
	(pc) =	sbr.rel @p1 .LBB1_5-.Ltmp2, $1  }
0x29: {  	_ =	sdelay $0x3  }
0x2a: {  	s14 =	simm.s32 $0x1  }
0x2b: {  	_ =	swait.ge [sflag:s4], $0x2000;
	s14 =	simm.s32 @!p0 $0x0  }
0x2c: {  	[sflag:s4] =	ssyncset.done $0x0;
	s15 =	sshll.u32 s14, $0xD  }
0x2d: {  	[sflag:s4] =	ssyncadd.s32 $0xFFFFE000;
	s18 =	sor.u32 $0x20, s15  }
0x2e: {  	s14 =	smul.u32 $0x8100, s14;
	v3 =	vld [tilespmem:s18+$0x10]  }
0x2f: {  	s30 =	sand.u32 $0x1, s11;
	v2 =	vld [tilespmem:s18+$0xFFFFFFF0]  }
0x30: {  	s15 =	smul.u32 $0x8100, s30;
	s14 =	sshrl.u32 s14, $0x2;
	v0 =	vld [tilespmem:s18+$0x0]  }
0x31: {  	v1 =	vld [tilespmem:s18+$0xFFFFFFE0];
	s16 =	sor.u32 $0x4000, s14  }
0x32: {  	s31 =	sshrl.u32 s15, $0x2;
	s15 =	sadd.s32 $0x0, s16  }
0x33: {  	s17 =	simm.s32 $0x4;
	s18 =	sadd.s32 $0x40, s18;
	s14 =	sor.u32 $0x4000, s31;
	[tilespmem:s15+$0x1830 ss:$0x81] =	vst.msk $0xffff, v3  }
.LBB1_3:
0x34: {  	v3 =	vld [tilespmem:s18+$0x10];
	p1 =	sne.s32 s17, $0x1FC;
	[tilespmem:s15+$0x810 ss:$0x81] =	vst.msk $0xffff, v2;
	s19 =	smov.u32 s17;
	s17 =	sadd.s32 $0x4, s17  }
.Ltmp3:
0x35: {  	v2 =	vld [tilespmem:s18+$0xFFFFFFF0];
	[tilespmem:s15+$0x1020 ss:$0x81] =	vst.msk $0xffff, v0;
	(pc) =	sbr.rel @p1 .LBB1_3-.Ltmp3, $4  }
0x36: {  	v0 =	vld [tilespmem:s18+$0x0];
	[tilespmem:s15+$0x0 ss:$0x81] =	vst.msk $0xffff, v1  }
0x37: {  	s15 =	sshra.s32 s19, $0x2;
	v1 =	vld [tilespmem:s18+$0xFFFFFFE0]  }
0x38: {  	s15 =	sadd.s32 s15, s16  }
0x39: {  	s18 =	sadd.s32 $0x40, s18;
	[tilespmem:s15+$0x1830 ss:$0x81] =	vst.msk $0xffff, v3  }
.Ltmp4:
0x3a: {  	_ = 	snop;
	(pc) =	sbr.rel .LBB1_4-.Ltmp4, $1  }
0x3b: {  	_ =	sdelay $0x3  }
.LBB1_6:
0x3c: {  	_ =	sfence.sel $0x180000  }
0x3d: {  	s2 =	simm.s32 $0x1;
	[bflag:$0x0] =	sbarrier.arrive $0xFFFF  }
0x3e: {  	s31 =	simm.s32 $0x2;
	[sflag:s2] =	ssyncpa.u1 $0x1  }
0x3f: {  	[sflag:s31] =	ssyncpa.u1 $0x1  }
0x40: {  	p0 =	sne.s32 s0, $0x0;
	_ =	strace $0x9000004A  }
0x41: {  	s0 =	sadd.s32 @!p0 $0x100000, s1;
	[bflag:$0x2] =	sbarrier.arrive $0xFFFF  }
0x42: {  	[sflag:s0] =	ssyncadd.tile.s32 @!p0 $0x1;
	_ =	shalt  }
.Lfunc_end1:
_tile_overlayer_lowered:
.L_overlay_start_2:
0x43: {  	(tag) =	ssettag $0x2  }
0x44: {  	s0 =	rddreg [dreg:$0x0];
	s2 =	stileid.u32  }
0x45: {  	s1 =	rddreg [dreg:$0x1];
	p0 =	sne.s32 s2, $0x0  }
0x46: {  	s3 =	rddreg [dreg:$0x2];
	[bflag:$0x3] =	sbarrier.arrive $0xFFFF;
	s2 =	simm.s32 @!p0 $0x1C01  }
0x47: {  	[timem:s3], [sflag:s2] =	dma.local @!p0 [hbm:s0], s1  }
0x48: {  	s0 =	simm.s32 @!p0 $0x1  }
0x49: {  	_ =	swait.ge @!p0 [sflag:s0], s1  }
0x4a: {  	s1 =	ssub.s32 @!p0 $0x0, s1;
	[sflag:s0] =	ssyncset.done @!p0 $0x0  }
0x4b: {  	[sflag:s0] =	ssyncadd.s32 @!p0 s1  }
0x4c: {  	[bflag:$0x3] =	sbarrier.arrive $0xFFFF  }
0x4d: {  	_ =	shalt  }

</sc_bundles>
